<compile_context>
chip_gen: v7x
topology: tpu7x:2x2x1
jax: 0.10.2.dev20260603
libtpu: 0.0.44.dev20260713+nightly
codegen_flags: <defaults>
</compile_context>

<pallas_src>
import jax
import jax.numpy as jnp
from jax import lax
from jax.experimental import pallas as pl
from jax.experimental.pallas import tpu as pltpu
from jax.experimental.pallas import tpu_sc as plsc

B, C, H, W = 4, 19, 384, 384
HW = H * W
NPIX = B * HW
TOT = B * C * HW

K = 512
NW = 32
CH = 3072
CHUNKS_PER_PLANE = HW // CH
NPLANES = B * C
CPT = TOT // (NW * CH)
LANE = 16
SROWS = 3 * K
NSEG = 4

BLK = 36864
NBLK = HW // BLK


def _seg_onehot():
    import numpy as np
    m = np.zeros((C, NW * NSEG), np.float32)
    for t in range(NW):
        lo = (t * CPT) // CHUNKS_PER_PLANE
        hi = (t * CPT + CPT - 1) // CHUNKS_PER_PLANE
        for s in range(hi - lo + 1):
            m[(lo + s) % C, t * NSEG + s] = 1.0
    return m


def _stage1_body(logits_ref, target_ref, dp_ref, dt_ref, x_ref, scal_ref):
    b = pl.program_id(0)
    j = pl.program_id(1)

    l = logits_ref[0]
    m = jnp.max(l, axis=0, keepdims=True)
    ex = jnp.exp(l - m)
    s = jnp.sum(ex, axis=0, keepdims=True)
    p = ex * (1.0 / s)

    tgt = target_ref[0, 0]
    cls = lax.broadcasted_iota(jnp.int32, (C, BLK), 0)
    fg = (tgt[None, :] == cls)
    e = jnp.abs(p - fg.astype(jnp.float32))

    lane4 = lax.broadcasted_iota(jnp.int32, (C, BLK), 1) & 15
    u = jnp.minimum((e * 32768.0 + 0.5).astype(jnp.int32), 32767)
    bin16 = ((u >> 2) & 0xFFF0) | lane4
    w = (fg.astype(jnp.int32) << 31) | (bin16 << 16) | u
    x_ref[0] = w

    d_part = jnp.abs(dp_ref[0, 0] - dt_ref[0, 0]).reshape(BLK // 128, 128)
    d_vec = jnp.sum(d_part, axis=0, keepdims=True)

    @pl.when(jnp.logical_and(b == 0, j == 0))
    def _():
        scal_ref[...] = jnp.zeros((1, 128), jnp.float32)

    scal_ref[...] += d_vec


def _stage1(logits, target, dp, dt):
    return pl.pallas_call(
        _stage1_body,
        grid=(B, NBLK),
        in_specs=[
            pl.BlockSpec((1, C, BLK), lambda b, j: (b, 0, j)),
            pl.BlockSpec((1, 1, BLK), lambda b, j: (b, 0, j)),
            pl.BlockSpec((1, 1, BLK), lambda b, j: (b, 0, j)),
            pl.BlockSpec((1, 1, BLK), lambda b, j: (b, 0, j)),
        ],
        out_specs=[
            pl.BlockSpec((1, C, BLK), lambda b, j: (b, 0, j)),
            pl.BlockSpec((1, 128), lambda b, j: (0, 0)),
        ],
        out_shape=[
            jax.ShapeDtypeStruct((B, C, HW), jnp.int32),
            jax.ShapeDtypeStruct((1, 128), jnp.float32),
        ],
    )(logits, target, dp, dt)


def _sc_body(x_hbm, out_hbm, buf0, buf1, seg_t, sem0, sem1):
    wid = lax.axis_index("c") * 16 + lax.axis_index("s")
    base = wid * CPT
    p_lo = base // CHUNKS_PER_PLANE
    ones = jnp.ones((LANE,), jnp.int32)
    zeros = jnp.zeros((LANE,), jnp.int32)

    ZU = 8
    def zb(r, _):
        for u in range(ZU):
            seg_t[pl.ds((r * ZU + u) * LANE, LANE)] = zeros
        return 0
    lax.fori_loop(0, NSEG * SROWS // ZU, zb, 0)

    def copy_in(g, buf, sem):
        return pltpu.make_async_copy(
            x_hbm.at[pl.ds((base + g) * CH, CH)], buf, sem)

    UN = 8
    def process(g, buf):
        seg = (base + g) // CHUNKS_PER_PLANE - p_lo
        flat_off = seg * (SROWS * LANE)

        def pb(jv, _):
            lanes = []
            for u in range(UN):
                v = buf[pl.ds((jv * UN + u) * LANE, LANE)]
                fg = v < 0
                idx = ((v >> 16) & 0x1FFF) + flat_off
                ev = v & 0xFFFF
                lanes.append((ev, fg, idx))
            for ev, fg, idx in lanes:
                plsc.addupdate_scatter(seg_t, [idx], ev)
                plsc.addupdate_scatter(seg_t, [idx + K * LANE], ones, mask=fg)
                plsc.addupdate_scatter(seg_t, [idx + 2 * K * LANE], ev, mask=fg)
            return 0
        lax.fori_loop(0, CH // (LANE * UN), pb, 0)

    copy_in(0, buf0, sem0).start()

    def body2(t, carry):
        ga = 2 * t
        copy_in(ga + 1, buf1, sem1).start()
        copy_in(ga, buf0, sem0).wait()
        process(ga, buf0)

        @pl.when(ga + 2 < CPT)
        def _():
            copy_in(ga + 2, buf0, sem0).start()

        copy_in(ga + 1, buf1, sem1).wait()
        process(ga + 1, buf1)
        return carry

    lax.fori_loop(0, CPT // 2, body2, 0)
    pltpu.sync_copy(seg_t, out_hbm.at[wid])


def _stage2(x_flat):
    mesh = plsc.VectorSubcoreMesh(core_axis_name="c", subcore_axis_name="s")
    return pl.kernel(
        _sc_body,
        out_type=jax.ShapeDtypeStruct((NW, NSEG * SROWS * LANE), jnp.int32),
        mesh=mesh,
        compiler_params=pltpu.CompilerParams(needs_layout_passes=False),
        scratch_types=[
            pltpu.VMEM((CH,), jnp.int32),
            pltpu.VMEM((CH,), jnp.int32),
            pltpu.VMEM((NSEG * SROWS * LANE,), jnp.int32),
            pltpu.SemaphoreType.DMA,
            pltpu.SemaphoreType.DMA,
        ],
    )(x_flat)


def _stage3_body(hist_ref, scal_ref, onehot_ref, out_ref):
    h = hist_ref[...].reshape(NW * NSEG, SROWS * LANE).astype(jnp.float32)
    onehot = onehot_ref[...]
    combined = jnp.dot(onehot, h, preferred_element_type=jnp.float32)
    combined = combined.reshape(C, SROWS, LANE).sum(axis=2)
    sum_all = combined[:, :K] * (1.0 / 32768.0)
    cnt_fg = combined[:, K:2 * K]
    sum_fg = combined[:, 2 * K:] * (1.0 / 32768.0)
    a = jnp.sum(sum_all, axis=1)
    efg = jnp.sum(sum_fg, axis=1)
    pcnt = jnp.sum(cnt_fg, axis=1)
    tri_r = lax.broadcasted_iota(jnp.int32, (K, K), 0)
    tri_c = lax.broadcasted_iota(jnp.int32, (K, K), 1)
    tri = (tri_r < tri_c).astype(jnp.float32)
    prefix_excl = jnp.dot(sum_all, tri, preferred_element_type=jnp.float32)
    bhat = jnp.sum(cnt_fg * (prefix_excl + 0.5 * sum_all), axis=1) - 0.5 * efg
    psafe = jnp.maximum(pcnt, 1.0)
    vals = a - (efg + bhat) / psafe
    masks = (pcnt > 0).astype(jnp.float32)
    n = jnp.sum(masks)
    seg = jnp.where(n > 0, jnp.sum(vals * masks) / jnp.maximum(n, 1.0), 0.0)
    dsum = jnp.sum(scal_ref[...])
    out = seg + 0.5 * dsum / jnp.float32(NPIX)
    out_ref[...] = jnp.full((1, 1), out, jnp.float32)


def _stage3(hist, scal):
    return pl.pallas_call(
        _stage3_body,
        out_shape=jax.ShapeDtypeStruct((1, 1), jnp.float32),
    )(hist, scal, jnp.asarray(_seg_onehot()))


@jax.jit
def kernel(logits, target, depth_pred, depth_true):
    lg = logits.reshape(B, C, HW)
    tgt = target.reshape(B, 1, HW)
    dp = depth_pred.reshape(B, 1, HW)
    dt = depth_true.reshape(B, 1, HW)
    x, scal = _stage1(lg, tgt, dp, dt)
    hist = _stage2(x.reshape(TOT))
    out = _stage3(hist, scal)
    return out.reshape(())

# --- scband reference (transcript-rebuilt; emitter-appended) ---
"""Pipeline reference for scband-lovasz-combined-loss-31576599560840 (READ-ONLY COPY).

The authoritative reference and input builder live on the scoring server;
editing this copy changes nothing except your own understanding.
"""

import jax, jax.numpy as jnp
import numpy as np


def lovasz_grad(gt_sorted):
    gts = gt_sorted.sum()
    safe = jnp.where(gts == 0, 1.0, gts)
    grad = (gts - jnp.cumsum(gt_sorted)) / safe
    return jnp.where(gts == 0, jnp.zeros_like(gt_sorted), grad)


def lovasz_softmax_flat(probas, labels):
    C = probas.shape[1]
    vals = []
    masks = []
    for c in range(C):
        fg = (labels == c).astype(jnp.float32)
        class_pred = probas[:, c]
        errors = jnp.abs(fg - class_pred)
        perm = jnp.argsort(-errors)
        errors_sorted = errors[perm]
        fg_sorted = fg[perm]
        g = lovasz_grad(fg_sorted)
        vals.append(jnp.dot(errors_sorted, g))
        masks.append((fg.sum() > 0).astype(jnp.float32))
    vals = jnp.stack(vals)
    masks = jnp.stack(masks)
    n = masks.sum()
    return jnp.where(n > 0, (vals * masks).sum() / jnp.maximum(n, 1.0), jnp.float32(0.0))


def setup_inputs(seed: int = 0):
    key = jax.random.key(seed)
    k1, k2, k3, k4 = jax.random.split(key, 4)
    B, C, H, W = 4, 19, 384, 384
    logits = jax.random.normal(k1, (B, C, H, W), dtype=jnp.float32)
    target = jax.random.randint(k2, (B, H, W), 0, C, dtype=jnp.int32)
    depth_pred = jax.random.normal(k3, (B, 1, H, W), dtype=jnp.float32)
    depth_true = jax.random.uniform(k4, (B, H, W), dtype=jnp.float32)
    return {"logits": logits, "target": target, "depth_pred": depth_pred, "depth_true": depth_true}


def reference(logits, target, depth_pred, depth_true):
    seg_loss_weight = 1.0
    depth_loss_weight = 0.5
    probas = jax.nn.softmax(logits, axis=1)
    C = logits.shape[1]
    # faithful to torch: probas.view(-1, C) on contiguous [B, C, H, W]
    probas_flat = probas.reshape(-1, C)
    labels_flat = target.reshape(-1)
    seg_loss_val = lovasz_softmax_flat(probas_flat, labels_flat)
    dp = depth_pred
    if dp.ndim == 4 and dp.shape[1] == 1:
        dp = dp[:, 0]
    dt = depth_true
    if dt.ndim == 4 and dt.shape[1] == 1:
        dt = dt[:, 0]
    depth_loss_val = jnp.mean(jnp.abs(dp - dt))
    return seg_loss_weight * seg_loss_val + depth_loss_weight * depth_loss_val

if __name__ == "__main__":
    import jax
    _d = setup_inputs()
    print(jax.jit(kernel)(*tuple(_d.values())))

</pallas_src>

<mosaic_0001>
#map = affine_map<(d0, d1) -> (0)>
#map1 = affine_map<(d0, d1) -> (0, 0)>
module attributes {stable_mosaic.version = 14 : i64} {
  func.func @_sc_body(%arg0: i32, %arg1: i32, %arg2: memref<11206656xi32, #tpu.memory_space<hbm>>, %arg3: memref<32x98304xi32, #tpu.memory_space<hbm>>, %arg4: memref<3072xi32, #tpu.memory_space<vmem>>, %arg5: memref<3072xi32, #tpu.memory_space<vmem>>, %arg6: memref<98304xi32, #tpu.memory_space<vmem>>, %arg7: memref<!tpu.dma_semaphore, #tpu.memory_space<semaphore_mem>>, %arg8: memref<!tpu.dma_semaphore, #tpu.memory_space<semaphore_mem>>) attributes {dimension_semantics = [#tpu.dimension_semantics<core_parallel>, #tpu.dimension_semantics<subcore_parallel>], iteration_bounds = array<i64: 2, 16>, scalar_prefetch = 0 : i64, scratch_operands = 5 : i64, tpu.core_type = #tpu.core_type<sc_vector_subcore>, window_params = [{transform_indices = #map}, {transform_indices = #map1}]} {
    %mul3A = arith.constant 16 : i32
    %mul3A_0 = arith.muli %arg0, %mul3A : i32
    %add3A = arith.addi %mul3A_0, %arg1 : i32
    %mul3A_1 = arith.constant 114 : i32
    %mul3A_2 = arith.muli %add3A, %mul3A_1 : i32
    %jit3A = arith.constant 48 : i32
    %div3A = arith.divsi %mul3A_2, %jit3A : i32
    %sign3A = arith.constant 0 : i32
    %sign3A_3 = arith.cmpi sgt, %mul3A_2, %sign3A : i32
    %sign3A_4 = arith.extui %sign3A_3 : i1 to i32
    %sign3A_5 = arith.constant 0 : i32
    %sign3A_6 = arith.cmpi slt, %mul3A_2, %sign3A_5 : i32
    %sign3A_7 = arith.extui %sign3A_6 : i1 to i32
    %sign3A_8 = arith.subi %sign3A_4, %sign3A_7 : i32
    %sign3A_9 = arith.constant 0 : i32
    %sign3A_10 = arith.cmpi sgt, %jit3A, %sign3A_9 : i32
    %sign3A_11 = arith.extui %sign3A_10 : i1 to i32
    %sign3A_12 = arith.constant 0 : i32
    %sign3A_13 = arith.cmpi slt, %jit3A, %sign3A_12 : i32
    %sign3A_14 = arith.extui %sign3A_13 : i1 to i32
    %sign3A_15 = arith.subi %sign3A_11, %sign3A_14 : i32
    %ne3A = arith.cmpi ne, %sign3A_8, %sign3A_15 : i32
    %rem3A = arith.remsi %mul3A_2, %jit3A : i32
    %ne3A_16 = arith.constant 0 : i32
    %ne3A_17 = arith.cmpi ne, %rem3A, %ne3A_16 : i32
    %and3A = arith.andi %ne3A, %ne3A_17 : i1
    %sub3A = arith.constant 1 : i32
    %sub3A_18 = arith.subi %div3A, %sub3A : i32
    %select_n3A = arith.select %and3A, %sub3A_18, %div3A : i32
    %broadcast_in_dim3A = arith.constant 1 : i32
    %broadcast_in_dim3A_19 = vector.broadcast %broadcast_in_dim3A : i32 to vector<16xi32>
    %broadcast_in_dim3A_20 = arith.constant 0 : i32
    %broadcast_in_dim3A_21 = vector.broadcast %broadcast_in_dim3A_20 : i32 to vector<16xi32>
    %scan3A = arith.constant 0 : i32
    %scan3A_22 = arith.constant 0 : i32
    %scan3A_23 = arith.constant 768 : i32
    %scan3A_24 = arith.addi %scan3A_22, %scan3A_23 : i32
    %scan3A_25 = arith.constant 1 : i32
    %scan3A_26 = scf.for %scan3A_39 = %scan3A_22 to %scan3A_24 step %scan3A_25 iter_args(%scan3A_40 = %scan3A) -> (i32)  : i32 {
      %mul3A_41 = arith.constant 8 : i32
      %mul3A_42 = arith.muli %scan3A_39, %mul3A_41 : i32
      %add3A_43 = arith.constant 0 : i32
      %add3A_44 = arith.addi %mul3A_42, %add3A_43 : i32
      %mul3A_45 = arith.constant 16 : i32
      %mul3A_46 = arith.muli %add3A_44, %mul3A_45 : i32
      %swap3A = arith.index_cast %mul3A_46 : i32 to index
      %swap3A_47 = tpu.vector_load %arg6[%swap3A] {strides = array<i32>} : memref<98304xi32, #tpu.memory_space<vmem>>, vector<16xi32>,
      tpu.vector_store %arg6[%swap3A], %broadcast_in_dim3A_21 {strides = array<i32>} : memref<98304xi32, #tpu.memory_space<vmem>>, vector<16xi32>,
      %mul3A_48 = arith.constant 8 : i32
      %mul3A_49 = arith.muli %scan3A_39, %mul3A_48 : i32
      %add3A_50 = arith.constant 1 : i32
      %add3A_51 = arith.addi %mul3A_49, %add3A_50 : i32
      %mul3A_52 = arith.constant 16 : i32
      %mul3A_53 = arith.muli %add3A_51, %mul3A_52 : i32
      %swap3A_54 = arith.index_cast %mul3A_53 : i32 to index
      %swap3A_55 = tpu.vector_load %arg6[%swap3A_54] {strides = array<i32>} : memref<98304xi32, #tpu.memory_space<vmem>>, vector<16xi32>,
      tpu.vector_store %arg6[%swap3A_54], %broadcast_in_dim3A_21 {strides = array<i32>} : memref<98304xi32, #tpu.memory_space<vmem>>, vector<16xi32>,
      %mul3A_56 = arith.constant 8 : i32
      %mul3A_57 = arith.muli %scan3A_39, %mul3A_56 : i32
      %add3A_58 = arith.constant 2 : i32
      %add3A_59 = arith.addi %mul3A_57, %add3A_58 : i32
      %mul3A_60 = arith.constant 16 : i32
      %mul3A_61 = arith.muli %add3A_59, %mul3A_60 : i32
      %swap3A_62 = arith.index_cast %mul3A_61 : i32 to index
      %swap3A_63 = tpu.vector_load %arg6[%swap3A_62] {strides = array<i32>} : memref<98304xi32, #tpu.memory_space<vmem>>, vector<16xi32>,
      tpu.vector_store %arg6[%swap3A_62], %broadcast_in_dim3A_21 {strides = array<i32>} : memref<98304xi32, #tpu.memory_space<vmem>>, vector<16xi32>,
      %mul3A_64 = arith.constant 8 : i32
      %mul3A_65 = arith.muli %scan3A_39, %mul3A_64 : i32
      %add3A_66 = arith.constant 3 : i32
      %add3A_67 = arith.addi %mul3A_65, %add3A_66 : i32
      %mul3A_68 = arith.constant 16 : i32
      %mul3A_69 = arith.muli %add3A_67, %mul3A_68 : i32
      %swap3A_70 = arith.index_cast %mul3A_69 : i32 to index
      %swap3A_71 = tpu.vector_load %arg6[%swap3A_70] {strides = array<i32>} : memref<98304xi32, #tpu.memory_space<vmem>>, vector<16xi32>,
      tpu.vector_store %arg6[%swap3A_70], %broadcast_in_dim3A_21 {strides = array<i32>} : memref<98304xi32, #tpu.memory_space<vmem>>, vector<16xi32>,
      %mul3A_72 = arith.constant 8 : i32
      %mul3A_73 = arith.muli %scan3A_39, %mul3A_72 : i32
      %add3A_74 = arith.constant 4 : i32
      %add3A_75 = arith.addi %mul3A_73, %add3A_74 : i32
      %mul3A_76 = arith.constant 16 : i32
      %mul3A_77 = arith.muli %add3A_75, %mul3A_76 : i32
      %swap3A_78 = arith.index_cast %mul3A_77 : i32 to index
      %swap3A_79 = tpu.vector_load %arg6[%swap3A_78] {strides = array<i32>} : memref<98304xi32, #tpu.memory_space<vmem>>, vector<16xi32>,
      tpu.vector_store %arg6[%swap3A_78], %broadcast_in_dim3A_21 {strides = array<i32>} : memref<98304xi32, #tpu.memory_space<vmem>>, vector<16xi32>,
      %mul3A_80 = arith.constant 8 : i32
      %mul3A_81 = arith.muli %scan3A_39, %mul3A_80 : i32
      %add3A_82 = arith.constant 5 : i32
      %add3A_83 = arith.addi %mul3A_81, %add3A_82 : i32
      %mul3A_84 = arith.constant 16 : i32
      %mul3A_85 = arith.muli %add3A_83, %mul3A_84 : i32
      %swap3A_86 = arith.index_cast %mul3A_85 : i32 to index
      %swap3A_87 = tpu.vector_load %arg6[%swap3A_86] {strides = array<i32>} : memref<98304xi32, #tpu.memory_space<vmem>>, vector<16xi32>,
      tpu.vector_store %arg6[%swap3A_86], %broadcast_in_dim3A_21 {strides = array<i32>} : memref<98304xi32, #tpu.memory_space<vmem>>, vector<16xi32>,
      %mul3A_88 = arith.constant 8 : i32
      %mul3A_89 = arith.muli %scan3A_39, %mul3A_88 : i32
      %add3A_90 = arith.constant 6 : i32
      %add3A_91 = arith.addi %mul3A_89, %add3A_90 : i32
      %mul3A_92 = arith.constant 16 : i32
      %mul3A_93 = arith.muli %add3A_91, %mul3A_92 : i32
      %swap3A_94 = arith.index_cast %mul3A_93 : i32 to index
      %swap3A_95 = tpu.vector_load %arg6[%swap3A_94] {strides = array<i32>} : memref<98304xi32, #tpu.memory_space<vmem>>, vector<16xi32>,
      tpu.vector_store %arg6[%swap3A_94], %broadcast_in_dim3A_21 {strides = array<i32>} : memref<98304xi32, #tpu.memory_space<vmem>>, vector<16xi32>,
      %mul3A_96 = arith.constant 8 : i32
      %mul3A_97 = arith.muli %scan3A_39, %mul3A_96 : i32
      %add3A_98 = arith.constant 7 : i32
      %add3A_99 = arith.addi %mul3A_97, %add3A_98 : i32
      %mul3A_100 = arith.constant 16 : i32
      %mul3A_101 = arith.muli %add3A_99, %mul3A_100 : i32
      %swap3A_102 = arith.index_cast %mul3A_101 : i32 to index
      %swap3A_103 = tpu.vector_load %arg6[%swap3A_102] {strides = array<i32>} : memref<98304xi32, #tpu.memory_space<vmem>>, vector<16xi32>,
      tpu.vector_store %arg6[%swap3A_102], %broadcast_in_dim3A_21 {strides = array<i32>} : memref<98304xi32, #tpu.memory_space<vmem>>, vector<16xi32>,
      %scan3A_104 = arith.constant 0 : i32
      scf.yield %scan3A_104 : i32
    }
    %scan3A_27 = arith.constant 768 : i32
    %add3A_28 = arith.constant 0 : i32
    %add3A_29 = arith.addi %mul3A_2, %add3A_28 : i32
    %mul3A_30 = arith.constant 3072 : i32
    %mul3A_31 = arith.muli %add3A_29, %mul3A_30 : i32
    %dma_start3A = tpu.memref_slice %arg2[%mul3A_31] : memref<11206656xi32, #tpu.memory_space<hbm>> -> memref<3072xi32, #tpu.memory_space<hbm>>
    %dma_start3A_32 = tpu.memref_slice %arg2[%mul3A_31] : memref<11206656xi32, #tpu.memory_space<hbm>> -> memref<3072xi32, #tpu.memory_space<hbm>>
    tpu.enqueue_dma source(%dma_start3A_32 : memref<3072xi32, #tpu.memory_space<hbm>>) target(%arg4 : memref<3072xi32, #tpu.memory_space<vmem>>) target_semaphore(%arg7 : memref<!tpu.dma_semaphore, #tpu.memory_space<semaphore_mem>>)
    %scan3A_33 = arith.constant 0 : i32
    %scan3A_34 = arith.constant 0 : i32
    %scan3A_35 = arith.constant 57 : i32
    %scan3A_36 = arith.addi %scan3A_34, %scan3A_35 : i32
    %scan3A_37 = arith.constant 1 : i32
    scf.for %scan3A_39 = %scan3A_34 to %scan3A_36 step %scan3A_37  : i32 {
      %mul3A_40 = arith.constant 2 : i32
      %mul3A_41 = arith.muli %mul3A_40, %scan3A_39 : i32
      %add3A_42 = arith.constant 1 : i32
      %add3A_43 = arith.addi %mul3A_41, %add3A_42 : i32
      %add3A_44 = arith.addi %mul3A_2, %add3A_43 : i32
      %mul3A_45 = arith.constant 3072 : i32
      %mul3A_46 = arith.muli %add3A_44, %mul3A_45 : i32
      %dma_start3A_47 = tpu.memref_slice %arg2[%mul3A_46] : memref<11206656xi32, #tpu.memory_space<hbm>> -> memref<3072xi32, #tpu.memory_space<hbm>>
      %dma_start3A_48 = tpu.memref_slice %arg2[%mul3A_46] : memref<11206656xi32, #tpu.memory_space<hbm>> -> memref<3072xi32, #tpu.memory_space<hbm>>
      tpu.enqueue_dma source(%dma_start3A_48 : memref<3072xi32, #tpu.memory_space<hbm>>) target(%arg5 : memref<3072xi32, #tpu.memory_space<vmem>>) target_semaphore(%arg8 : memref<!tpu.dma_semaphore, #tpu.memory_space<semaphore_mem>>)
      %add3A_49 = arith.addi %mul3A_2, %mul3A_41 : i32
      %mul3A_50 = arith.constant 3072 : i32
      %mul3A_51 = arith.muli %add3A_49, %mul3A_50 : i32
      %dma_wait3A = tpu.memref_slice %arg2[%mul3A_51] : memref<11206656xi32, #tpu.memory_space<hbm>> -> memref<3072xi32, #tpu.memory_space<hbm>>
      %dma_wait3A_52 = tpu.memref_slice %arg2[%mul3A_51] : memref<11206656xi32, #tpu.memory_space<hbm>> -> memref<3072xi32, #tpu.memory_space<hbm>>
      tpu.wait_dma2 semaphore(%arg7 : memref<!tpu.dma_semaphore, #tpu.memory_space<semaphore_mem>>) src(%dma_wait3A_52 : memref<3072xi32, #tpu.memory_space<hbm>>) dst(%arg4 : memref<3072xi32, #tpu.memory_space<vmem>>)
      %add3A_53 = arith.addi %mul3A_2, %mul3A_41 : i32
      %jit3A_54 = arith.constant 48 : i32
      %div3A_55 = arith.divsi %add3A_53, %jit3A_54 : i32
      %sign3A_56 = arith.constant 0 : i32
      %sign3A_57 = arith.cmpi sgt, %add3A_53, %sign3A_56 : i32
      %sign3A_58 = arith.extui %sign3A_57 : i1 to i32
      %sign3A_59 = arith.constant 0 : i32
      %sign3A_60 = arith.cmpi slt, %add3A_53, %sign3A_59 : i32
      %sign3A_61 = arith.extui %sign3A_60 : i1 to i32
      %sign3A_62 = arith.subi %sign3A_58, %sign3A_61 : i32
      %sign3A_63 = arith.constant 0 : i32
      %sign3A_64 = arith.cmpi sgt, %jit3A_54, %sign3A_63 : i32
      %sign3A_65 = arith.extui %sign3A_64 : i1 to i32
      %sign3A_66 = arith.constant 0 : i32
      %sign3A_67 = arith.cmpi slt, %jit3A_54, %sign3A_66 : i32
      %sign3A_68 = arith.extui %sign3A_67 : i1 to i32
      %sign3A_69 = arith.subi %sign3A_65, %sign3A_68 : i32
      %ne3A_70 = arith.cmpi ne, %sign3A_62, %sign3A_69 : i32
      %rem3A_71 = arith.remsi %add3A_53, %jit3A_54 : i32
      %ne3A_72 = arith.constant 0 : i32
      %ne3A_73 = arith.cmpi ne, %rem3A_71, %ne3A_72 : i32
      %and3A_74 = arith.andi %ne3A_70, %ne3A_73 : i1
      %sub3A_75 = arith.constant 1 : i32
      %sub3A_76 = arith.subi %div3A_55, %sub3A_75 : i32
      %select_n3A_77 = arith.select %and3A_74, %sub3A_76, %div3A_55 : i32
      %sub3A_78 = arith.subi %select_n3A_77, %select_n3A : i32
      %mul3A_79 = arith.constant 24576 : i32
      %mul3A_80 = arith.muli %sub3A_78, %mul3A_79 : i32
      %scan3A_81 = arith.constant 0 : i32
      %scan3A_82 = arith.constant 0 : i32
      %scan3A_83 = arith.constant 24 : i32
      %scan3A_84 = arith.addi %scan3A_82, %scan3A_83 : i32
      %scan3A_85 = arith.constant 1 : i32
      %scan3A_86 = scf.for %scan3A_136 = %scan3A_82 to %scan3A_84 step %scan3A_85 iter_args(%scan3A_137 = %scan3A_81) -> (i32)  : i32 {
        %mul3A_138 = arith.constant 8 : i32
        %mul3A_139 = arith.muli %scan3A_136, %mul3A_138 : i32
        %add3A_140 = arith.constant 0 : i32
        %add3A_141 = arith.addi %mul3A_139, %add3A_140 : i32
        %mul3A_142 = arith.constant 16 : i32
        %mul3A_143 = arith.muli %add3A_141, %mul3A_142 : i32
        %get3A = arith.index_cast %mul3A_143 : i32 to index
        %get3A_144 = tpu.vector_load %arg4[%get3A] {strides = array<i32>} : memref<3072xi32, #tpu.memory_space<vmem>>, vector<16xi32>,
        %lt3A_145 = arith.constant 0 : i32
        %lt3A_146 = vector.broadcast %lt3A_145 : i32 to vector<16xi32>
        %lt3A_147 = arith.cmpi slt, %get3A_144, %lt3A_146 : vector<16xi32>
        %shift_right_arithmetic3A = arith.constant 16 : i32
        %shift_right_arithmetic3A_148 = vector.broadcast %shift_right_arithmetic3A : i32 to vector<16xi32>
        %shift_right_arithmetic3A_149 = arith.shrsi %get3A_144, %shift_right_arithmetic3A_148 : vector<16xi32>
        %and3A_150 = arith.constant 8191 : i32
        %and3A_151 = vector.broadcast %and3A_150 : i32 to vector<16xi32>
        %and3A_152 = arith.andi %shift_right_arithmetic3A_149, %and3A_151 : vector<16xi32>
        %add3A_153 = vector.broadcast %mul3A_80 : i32 to vector<16xi32>
        %add3A_154 = arith.addi %and3A_152, %add3A_153 : vector<16xi32>
        %and3A_155 = arith.constant 65535 : i32
        %and3A_156 = vector.broadcast %and3A_155 : i32 to vector<16xi32>
        %and3A_157 = arith.andi %get3A_144, %and3A_156 : vector<16xi32>
        %mul3A_158 = arith.constant 8 : i32
        %mul3A_159 = arith.muli %scan3A_136, %mul3A_158 : i32
        %add3A_160 = arith.constant 1 : i32
        %add3A_161 = arith.addi %mul3A_159, %add3A_160 : i32
        %mul3A_162 = arith.constant 16 : i32
        %mul3A_163 = arith.muli %add3A_161, %mul3A_162 : i32
        %get3A_164 = arith.index_cast %mul3A_163 : i32 to index
        %get3A_165 = tpu.vector_load %arg4[%get3A_164] {strides = array<i32>} : memref<3072xi32, #tpu.memory_space<vmem>>, vector<16xi32>,
        %lt3A_166 = arith.constant 0 : i32
        %lt3A_167 = vector.broadcast %lt3A_166 : i32 to vector<16xi32>
        %lt3A_168 = arith.cmpi slt, %get3A_165, %lt3A_167 : vector<16xi32>
        %shift_right_arithmetic3A_169 = arith.constant 16 : i32
        %shift_right_arithmetic3A_170 = vector.broadcast %shift_right_arithmetic3A_169 : i32 to vector<16xi32>
        %shift_right_arithmetic3A_171 = arith.shrsi %get3A_165, %shift_right_arithmetic3A_170 : vector<16xi32>
        %and3A_172 = arith.constant 8191 : i32
        %and3A_173 = vector.broadcast %and3A_172 : i32 to vector<16xi32>
        %and3A_174 = arith.andi %shift_right_arithmetic3A_171, %and3A_173 : vector<16xi32>
        %add3A_175 = vector.broadcast %mul3A_80 : i32 to vector<16xi32>
        %add3A_176 = arith.addi %and3A_174, %add3A_175 : vector<16xi32>
        %and3A_177 = arith.constant 65535 : i32
        %and3A_178 = vector.broadcast %and3A_177 : i32 to vector<16xi32>
        %and3A_179 = arith.andi %get3A_165, %and3A_178 : vector<16xi32>
        %mul3A_180 = arith.constant 8 : i32
        %mul3A_181 = arith.muli %scan3A_136, %mul3A_180 : i32
        %add3A_182 = arith.constant 2 : i32
        %add3A_183 = arith.addi %mul3A_181, %add3A_182 : i32
        %mul3A_184 = arith.constant 16 : i32
        %mul3A_185 = arith.muli %add3A_183, %mul3A_184 : i32
        %get3A_186 = arith.index_cast %mul3A_185 : i32 to index
        %get3A_187 = tpu.vector_load %arg4[%get3A_186] {strides = array<i32>} : memref<3072xi32, #tpu.memory_space<vmem>>, vector<16xi32>,
        %lt3A_188 = arith.constant 0 : i32
        %lt3A_189 = vector.broadcast %lt3A_188 : i32 to vector<16xi32>
        %lt3A_190 = arith.cmpi slt, %get3A_187, %lt3A_189 : vector<16xi32>
        %shift_right_arithmetic3A_191 = arith.constant 16 : i32
        %shift_right_arithmetic3A_192 = vector.broadcast %shift_right_arithmetic3A_191 : i32 to vector<16xi32>
        %shift_right_arithmetic3A_193 = arith.shrsi %get3A_187, %shift_right_arithmetic3A_192 : vector<16xi32>
        %and3A_194 = arith.constant 8191 : i32
        %and3A_195 = vector.broadcast %and3A_194 : i32 to vector<16xi32>
        %and3A_196 = arith.andi %shift_right_arithmetic3A_193, %and3A_195 : vector<16xi32>
        %add3A_197 = vector.broadcast %mul3A_80 : i32 to vector<16xi32>
        %add3A_198 = arith.addi %and3A_196, %add3A_197 : vector<16xi32>
        %and3A_199 = arith.constant 65535 : i32
        %and3A_200 = vector.broadcast %and3A_199 : i32 to vector<16xi32>
        %and3A_201 = arith.andi %get3A_187, %and3A_200 : vector<16xi32>
        %mul3A_202 = arith.constant 8 : i32
        %mul3A_203 = arith.muli %scan3A_136, %mul3A_202 : i32
        %add3A_204 = arith.constant 3 : i32
        %add3A_205 = arith.addi %mul3A_203, %add3A_204 : i32
        %mul3A_206 = arith.constant 16 : i32
        %mul3A_207 = arith.muli %add3A_205, %mul3A_206 : i32
        %get3A_208 = arith.index_cast %mul3A_207 : i32 to index
        %get3A_209 = tpu.vector_load %arg4[%get3A_208] {strides = array<i32>} : memref<3072xi32, #tpu.memory_space<vmem>>, vector<16xi32>,
        %lt3A_210 = arith.constant 0 : i32
        %lt3A_211 = vector.broadcast %lt3A_210 : i32 to vector<16xi32>
        %lt3A_212 = arith.cmpi slt, %get3A_209, %lt3A_211 : vector<16xi32>
        %shift_right_arithmetic3A_213 = arith.constant 16 : i32
        %shift_right_arithmetic3A_214 = vector.broadcast %shift_right_arithmetic3A_213 : i32 to vector<16xi32>
        %shift_right_arithmetic3A_215 = arith.shrsi %get3A_209, %shift_right_arithmetic3A_214 : vector<16xi32>
        %and3A_216 = arith.constant 8191 : i32
        %and3A_217 = vector.broadcast %and3A_216 : i32 to vector<16xi32>
        %and3A_218 = arith.andi %shift_right_arithmetic3A_215, %and3A_217 : vector<16xi32>
        %add3A_219 = vector.broadcast %mul3A_80 : i32 to vector<16xi32>
        %add3A_220 = arith.addi %and3A_218, %add3A_219 : vector<16xi32>
        %and3A_221 = arith.constant 65535 : i32
        %and3A_222 = vector.broadcast %and3A_221 : i32 to vector<16xi32>
        %and3A_223 = arith.andi %get3A_209, %and3A_222 : vector<16xi32>
        %mul3A_224 = arith.constant 8 : i32
        %mul3A_225 = arith.muli %scan3A_136, %mul3A_224 : i32
        %add3A_226 = arith.constant 4 : i32
        %add3A_227 = arith.addi %mul3A_225, %add3A_226 : i32
        %mul3A_228 = arith.constant 16 : i32
        %mul3A_229 = arith.muli %add3A_227, %mul3A_228 : i32
        %get3A_230 = arith.index_cast %mul3A_229 : i32 to index
        %get3A_231 = tpu.vector_load %arg4[%get3A_230] {strides = array<i32>} : memref<3072xi32, #tpu.memory_space<vmem>>, vector<16xi32>,
        %lt3A_232 = arith.constant 0 : i32
        %lt3A_233 = vector.broadcast %lt3A_232 : i32 to vector<16xi32>
        %lt3A_234 = arith.cmpi slt, %get3A_231, %lt3A_233 : vector<16xi32>
        %shift_right_arithmetic3A_235 = arith.constant 16 : i32
        %shift_right_arithmetic3A_236 = vector.broadcast %shift_right_arithmetic3A_235 : i32 to vector<16xi32>
        %shift_right_arithmetic3A_237 = arith.shrsi %get3A_231, %shift_right_arithmetic3A_236 : vector<16xi32>
        %and3A_238 = arith.constant 8191 : i32
        %and3A_239 = vector.broadcast %and3A_238 : i32 to vector<16xi32>
        %and3A_240 = arith.andi %shift_right_arithmetic3A_237, %and3A_239 : vector<16xi32>
        %add3A_241 = vector.broadcast %mul3A_80 : i32 to vector<16xi32>
        %add3A_242 = arith.addi %and3A_240, %add3A_241 : vector<16xi32>
        %and3A_243 = arith.constant 65535 : i32
        %and3A_244 = vector.broadcast %and3A_243 : i32 to vector<16xi32>
        %and3A_245 = arith.andi %get3A_231, %and3A_244 : vector<16xi32>
        %mul3A_246 = arith.constant 8 : i32
        %mul3A_247 = arith.muli %scan3A_136, %mul3A_246 : i32
        %add3A_248 = arith.constant 5 : i32
        %add3A_249 = arith.addi %mul3A_247, %add3A_248 : i32
        %mul3A_250 = arith.constant 16 : i32
        %mul3A_251 = arith.muli %add3A_249, %mul3A_250 : i32
        %get3A_252 = arith.index_cast %mul3A_251 : i32 to index
        %get3A_253 = tpu.vector_load %arg4[%get3A_252] {strides = array<i32>} : memref<3072xi32, #tpu.memory_space<vmem>>, vector<16xi32>,
        %lt3A_254 = arith.constant 0 : i32
        %lt3A_255 = vector.broadcast %lt3A_254 : i32 to vector<16xi32>
        %lt3A_256 = arith.cmpi slt, %get3A_253, %lt3A_255 : vector<16xi32>
        %shift_right_arithmetic3A_257 = arith.constant 16 : i32
        %shift_right_arithmetic3A_258 = vector.broadcast %shift_right_arithmetic3A_257 : i32 to vector<16xi32>
        %shift_right_arithmetic3A_259 = arith.shrsi %get3A_253, %shift_right_arithmetic3A_258 : vector<16xi32>
        %and3A_260 = arith.constant 8191 : i32
        %and3A_261 = vector.broadcast %and3A_260 : i32 to vector<16xi32>
        %and3A_262 = arith.andi %shift_right_arithmetic3A_259, %and3A_261 : vector<16xi32>
        %add3A_263 = vector.broadcast %mul3A_80 : i32 to vector<16xi32>
        %add3A_264 = arith.addi %and3A_262, %add3A_263 : vector<16xi32>
        %and3A_265 = arith.constant 65535 : i32
        %and3A_266 = vector.broadcast %and3A_265 : i32 to vector<16xi32>
        %and3A_267 = arith.andi %get3A_253, %and3A_266 : vector<16xi32>
        %mul3A_268 = arith.constant 8 : i32
        %mul3A_269 = arith.muli %scan3A_136, %mul3A_268 : i32
        %add3A_270 = arith.constant 6 : i32
        %add3A_271 = arith.addi %mul3A_269, %add3A_270 : i32
        %mul3A_272 = arith.constant 16 : i32
        %mul3A_273 = arith.muli %add3A_271, %mul3A_272 : i32
        %get3A_274 = arith.index_cast %mul3A_273 : i32 to index
        %get3A_275 = tpu.vector_load %arg4[%get3A_274] {strides = array<i32>} : memref<3072xi32, #tpu.memory_space<vmem>>, vector<16xi32>,
        %lt3A_276 = arith.constant 0 : i32
        %lt3A_277 = vector.broadcast %lt3A_276 : i32 to vector<16xi32>
        %lt3A_278 = arith.cmpi slt, %get3A_275, %lt3A_277 : vector<16xi32>
        %shift_right_arithmetic3A_279 = arith.constant 16 : i32
        %shift_right_arithmetic3A_280 = vector.broadcast %shift_right_arithmetic3A_279 : i32 to vector<16xi32>
        %shift_right_arithmetic3A_281 = arith.shrsi %get3A_275, %shift_right_arithmetic3A_280 : vector<16xi32>
        %and3A_282 = arith.constant 8191 : i32
        %and3A_283 = vector.broadcast %and3A_282 : i32 to vector<16xi32>
        %and3A_284 = arith.andi %shift_right_arithmetic3A_281, %and3A_283 : vector<16xi32>
        %add3A_285 = vector.broadcast %mul3A_80 : i32 to vector<16xi32>
        %add3A_286 = arith.addi %and3A_284, %add3A_285 : vector<16xi32>
        %and3A_287 = arith.constant 65535 : i32
        %and3A_288 = vector.broadcast %and3A_287 : i32 to vector<16xi32>
        %and3A_289 = arith.andi %get3A_275, %and3A_288 : vector<16xi32>
        %mul3A_290 = arith.constant 8 : i32
        %mul3A_291 = arith.muli %scan3A_136, %mul3A_290 : i32
        %add3A_292 = arith.constant 7 : i32
        %add3A_293 = arith.addi %mul3A_291, %add3A_292 : i32
        %mul3A_294 = arith.constant 16 : i32
        %mul3A_295 = arith.muli %add3A_293, %mul3A_294 : i32
        %get3A_296 = arith.index_cast %mul3A_295 : i32 to index
        %get3A_297 = tpu.vector_load %arg4[%get3A_296] {strides = array<i32>} : memref<3072xi32, #tpu.memory_space<vmem>>, vector<16xi32>,
        %lt3A_298 = arith.constant 0 : i32
        %lt3A_299 = vector.broadcast %lt3A_298 : i32 to vector<16xi32>
        %lt3A_300 = arith.cmpi slt, %get3A_297, %lt3A_299 : vector<16xi32>
        %shift_right_arithmetic3A_301 = arith.constant 16 : i32
        %shift_right_arithmetic3A_302 = vector.broadcast %shift_right_arithmetic3A_301 : i32 to vector<16xi32>
        %shift_right_arithmetic3A_303 = arith.shrsi %get3A_297, %shift_right_arithmetic3A_302 : vector<16xi32>
        %and3A_304 = arith.constant 8191 : i32
        %and3A_305 = vector.broadcast %and3A_304 : i32 to vector<16xi32>
        %and3A_306 = arith.andi %shift_right_arithmetic3A_303, %and3A_305 : vector<16xi32>
        %add3A_307 = vector.broadcast %mul3A_80 : i32 to vector<16xi32>
        %add3A_308 = arith.addi %and3A_306, %add3A_307 : vector<16xi32>
        %and3A_309 = arith.constant 65535 : i32
        %and3A_310 = vector.broadcast %and3A_309 : i32 to vector<16xi32>
        %and3A_311 = arith.andi %get3A_297, %and3A_310 : vector<16xi32>
        tpu.vector_store_idx %arg6[%add3A_154], %and3A_157 {add = true} : memref<98304xi32, #tpu.memory_space<vmem>>[vector<16xi32>], vector<16xi32>,
        %add3A_312 = arith.constant 8192 : i32
        %add3A_313 = vector.broadcast %add3A_312 : i32 to vector<16xi32>
        %add3A_314 = arith.addi %add3A_154, %add3A_313 : vector<16xi32>
        tpu.vector_store_idx %arg6[%add3A_314], %broadcast_in_dim3A_19 masked %lt3A_147 {add = true} : memref<98304xi32, #tpu.memory_space<vmem>>[vector<16xi32>], vector<16xi32>, vector<16xi1>
        %add3A_315 = arith.constant 16384 : i32
        %add3A_316 = vector.broadcast %add3A_315 : i32 to vector<16xi32>
        %add3A_317 = arith.addi %add3A_154, %add3A_316 : vector<16xi32>
        tpu.vector_store_idx %arg6[%add3A_317], %and3A_157 masked %lt3A_147 {add = true} : memref<98304xi32, #tpu.memory_space<vmem>>[vector<16xi32>], vector<16xi32>, vector<16xi1>
        tpu.vector_store_idx %arg6[%add3A_176], %and3A_179 {add = true} : memref<98304xi32, #tpu.memory_space<vmem>>[vector<16xi32>], vector<16xi32>,
        %add3A_318 = arith.constant 8192 : i32
        %add3A_319 = vector.broadcast %add3A_318 : i32 to vector<16xi32>
        %add3A_320 = arith.addi %add3A_176, %add3A_319 : vector<16xi32>
        tpu.vector_store_idx %arg6[%add3A_320], %broadcast_in_dim3A_19 masked %lt3A_168 {add = true} : memref<98304xi32, #tpu.memory_space<vmem>>[vector<16xi32>], vector<16xi32>, vector<16xi1>
        %add3A_321 = arith.constant 16384 : i32
        %add3A_322 = vector.broadcast %add3A_321 : i32 to vector<16xi32>
        %add3A_323 = arith.addi %add3A_176, %add3A_322 : vector<16xi32>
        tpu.vector_store_idx %arg6[%add3A_323], %and3A_179 masked %lt3A_168 {add = true} : memref<98304xi32, #tpu.memory_space<vmem>>[vector<16xi32>], vector<16xi32>, vector<16xi1>
        tpu.vector_store_idx %arg6[%add3A_198], %and3A_201 {add = true} : memref<98304xi32, #tpu.memory_space<vmem>>[vector<16xi32>], vector<16xi32>,
        %add3A_324 = arith.constant 8192 : i32
        %add3A_325 = vector.broadcast %add3A_324 : i32 to vector<16xi32>
        %add3A_326 = arith.addi %add3A_198, %add3A_325 : vector<16xi32>
        tpu.vector_store_idx %arg6[%add3A_326], %broadcast_in_dim3A_19 masked %lt3A_190 {add = true} : memref<98304xi32, #tpu.memory_space<vmem>>[vector<16xi32>], vector<16xi32>, vector<16xi1>
        %add3A_327 = arith.constant 16384 : i32
        %add3A_328 = vector.broadcast %add3A_327 : i32 to vector<16xi32>
        %add3A_329 = arith.addi %add3A_198, %add3A_328 : vector<16xi32>
        tpu.vector_store_idx %arg6[%add3A_329], %and3A_201 masked %lt3A_190 {add = true} : memref<98304xi32, #tpu.memory_space<vmem>>[vector<16xi32>], vector<16xi32>, vector<16xi1>
        tpu.vector_store_idx %arg6[%add3A_220], %and3A_223 {add = true} : memref<98304xi32, #tpu.memory_space<vmem>>[vector<16xi32>], vector<16xi32>,
        %add3A_330 = arith.constant 8192 : i32
        %add3A_331 = vector.broadcast %add3A_330 : i32 to vector<16xi32>
        %add3A_332 = arith.addi %add3A_220, %add3A_331 : vector<16xi32>
        tpu.vector_store_idx %arg6[%add3A_332], %broadcast_in_dim3A_19 masked %lt3A_212 {add = true} : memref<98304xi32, #tpu.memory_space<vmem>>[vector<16xi32>], vector<16xi32>, vector<16xi1>
        %add3A_333 = arith.constant 16384 : i32
        %add3A_334 = vector.broadcast %add3A_333 : i32 to vector<16xi32>
        %add3A_335 = arith.addi %add3A_220, %add3A_334 : vector<16xi32>
        tpu.vector_store_idx %arg6[%add3A_335], %and3A_223 masked %lt3A_212 {add = true} : memref<98304xi32, #tpu.memory_space<vmem>>[vector<16xi32>], vector<16xi32>, vector<16xi1>
        tpu.vector_store_idx %arg6[%add3A_242], %and3A_245 {add = true} : memref<98304xi32, #tpu.memory_space<vmem>>[vector<16xi32>], vector<16xi32>,
        %add3A_336 = arith.constant 8192 : i32
        %add3A_337 = vector.broadcast %add3A_336 : i32 to vector<16xi32>
        %add3A_338 = arith.addi %add3A_242, %add3A_337 : vector<16xi32>
        tpu.vector_store_idx %arg6[%add3A_338], %broadcast_in_dim3A_19 masked %lt3A_234 {add = true} : memref<98304xi32, #tpu.memory_space<vmem>>[vector<16xi32>], vector<16xi32>, vector<16xi1>
        %add3A_339 = arith.constant 16384 : i32
        %add3A_340 = vector.broadcast %add3A_339 : i32 to vector<16xi32>
        %add3A_341 = arith.addi %add3A_242, %add3A_340 : vector<16xi32>
        tpu.vector_store_idx %arg6[%add3A_341], %and3A_245 masked %lt3A_234 {add = true} : memref<98304xi32, #tpu.memory_space<vmem>>[vector<16xi32>], vector<16xi32>, vector<16xi1>
        tpu.vector_store_idx %arg6[%add3A_264], %and3A_267 {add = true} : memref<98304xi32, #tpu.memory_space<vmem>>[vector<16xi32>], vector<16xi32>,
        %add3A_342 = arith.constant 8192 : i32
        %add3A_343 = vector.broadcast %add3A_342 : i32 to vector<16xi32>
        %add3A_344 = arith.addi %add3A_264, %add3A_343 : vector<16xi32>
        tpu.vector_store_idx %arg6[%add3A_344], %broadcast_in_dim3A_19 masked %lt3A_256 {add = true} : memref<98304xi32, #tpu.memory_space<vmem>>[vector<16xi32>], vector<16xi32>, vector<16xi1>
        %add3A_345 = arith.constant 16384 : i32
        %add3A_346 = vector.broadcast %add3A_345 : i32 to vector<16xi32>
        %add3A_347 = arith.addi %add3A_264, %add3A_346 : vector<16xi32>
        tpu.vector_store_idx %arg6[%add3A_347], %and3A_267 masked %lt3A_256 {add = true} : memref<98304xi32, #tpu.memory_space<vmem>>[vector<16xi32>], vector<16xi32>, vector<16xi1>
        tpu.vector_store_idx %arg6[%add3A_286], %and3A_289 {add = true} : memref<98304xi32, #tpu.memory_space<vmem>>[vector<16xi32>], vector<16xi32>,
        %add3A_348 = arith.constant 8192 : i32
        %add3A_349 = vector.broadcast %add3A_348 : i32 to vector<16xi32>
        %add3A_350 = arith.addi %add3A_286, %add3A_349 : vector<16xi32>
        tpu.vector_store_idx %arg6[%add3A_350], %broadcast_in_dim3A_19 masked %lt3A_278 {add = true} : memref<98304xi32, #tpu.memory_space<vmem>>[vector<16xi32>], vector<16xi32>, vector<16xi1>
        %add3A_351 = arith.constant 16384 : i32
        %add3A_352 = vector.broadcast %add3A_351 : i32 to vector<16xi32>
        %add3A_353 = arith.addi %add3A_286, %add3A_352 : vector<16xi32>
        tpu.vector_store_idx %arg6[%add3A_353], %and3A_289 masked %lt3A_278 {add = true} : memref<98304xi32, #tpu.memory_space<vmem>>[vector<16xi32>], vector<16xi32>, vector<16xi1>
        tpu.vector_store_idx %arg6[%add3A_308], %and3A_311 {add = true} : memref<98304xi32, #tpu.memory_space<vmem>>[vector<16xi32>], vector<16xi32>,
        %add3A_354 = arith.constant 8192 : i32
        %add3A_355 = vector.broadcast %add3A_354 : i32 to vector<16xi32>
        %add3A_356 = arith.addi %add3A_308, %add3A_355 : vector<16xi32>
        tpu.vector_store_idx %arg6[%add3A_356], %broadcast_in_dim3A_19 masked %lt3A_300 {add = true} : memref<98304xi32, #tpu.memory_space<vmem>>[vector<16xi32>], vector<16xi32>, vector<16xi1>
        %add3A_357 = arith.constant 16384 : i32
        %add3A_358 = vector.broadcast %add3A_357 : i32 to vector<16xi32>
        %add3A_359 = arith.addi %add3A_308, %add3A_358 : vector<16xi32>
        tpu.vector_store_idx %arg6[%add3A_359], %and3A_311 masked %lt3A_300 {add = true} : memref<98304xi32, #tpu.memory_space<vmem>>[vector<16xi32>], vector<16xi32>, vector<16xi1>
        %scan3A_360 = arith.constant 0 : i32
        scf.yield %scan3A_360 : i32
      }
      %scan3A_87 = arith.constant 24 : i32
      %add3A_88 = arith.constant 2 : i32
      %add3A_89 = arith.addi %mul3A_41, %add3A_88 : i32
      %lt3A = arith.constant 114 : i32
      %lt3A_90 = arith.cmpi slt, %add3A_89, %lt3A : i32
      %convert_element_type3A = arith.extui %lt3A_90 : i1 to i32
      %cond3A = arith.constant 0 : i32
      %cond3A_91 = arith.cmpi ne, %convert_element_type3A, %cond3A : i32
      scf.if %cond3A_91 {
        %add3A_136 = arith.constant 2 : i32
        %add3A_137 = arith.addi %mul3A_41, %add3A_136 : i32
        %add3A_138 = arith.addi %mul3A_2, %add3A_137 : i32
        %mul3A_139 = arith.constant 3072 : i32
        %mul3A_140 = arith.muli %add3A_138, %mul3A_139 : i32
        %dma_start3A_141 = tpu.memref_slice %arg2[%mul3A_140] : memref<11206656xi32, #tpu.memory_space<hbm>> -> memref<3072xi32, #tpu.memory_space<hbm>>
        %dma_start3A_142 = tpu.memref_slice %arg2[%mul3A_140] : memref<11206656xi32, #tpu.memory_space<hbm>> -> memref<3072xi32, #tpu.memory_space<hbm>>
        tpu.enqueue_dma source(%dma_start3A_142 : memref<3072xi32, #tpu.memory_space<hbm>>) target(%arg4 : memref<3072xi32, #tpu.memory_space<vmem>>) target_semaphore(%arg7 : memref<!tpu.dma_semaphore, #tpu.memory_space<semaphore_mem>>)
      } else {
      }
      %add3A_92 = arith.constant 1 : i32
      %add3A_93 = arith.addi %mul3A_41, %add3A_92 : i32
      %add3A_94 = arith.addi %mul3A_2, %add3A_93 : i32
      %mul3A_95 = arith.constant 3072 : i32
      %mul3A_96 = arith.muli %add3A_94, %mul3A_95 : i32
      %dma_wait3A_97 = tpu.memref_slice %arg2[%mul3A_96] : memref<11206656xi32, #tpu.memory_space<hbm>> -> memref<3072xi32, #tpu.memory_space<hbm>>
      %dma_wait3A_98 = tpu.memref_slice %arg2[%mul3A_96] : memref<11206656xi32, #tpu.memory_space<hbm>> -> memref<3072xi32, #tpu.memory_space<hbm>>
      tpu.wait_dma2 semaphore(%arg8 : memref<!tpu.dma_semaphore, #tpu.memory_space<semaphore_mem>>) src(%dma_wait3A_98 : memref<3072xi32, #tpu.memory_space<hbm>>) dst(%arg5 : memref<3072xi32, #tpu.memory_space<vmem>>)
      %add3A_99 = arith.constant 1 : i32
      %add3A_100 = arith.addi %mul3A_41, %add3A_99 : i32
      %add3A_101 = arith.addi %mul3A_2, %add3A_100 : i32
      %jit3A_102 = arith.constant 48 : i32
      %div3A_103 = arith.divsi %add3A_101, %jit3A_102 : i32
      %sign3A_104 = arith.constant 0 : i32
      %sign3A_105 = arith.cmpi sgt, %add3A_101, %sign3A_104 : i32
      %sign3A_106 = arith.extui %sign3A_105 : i1 to i32
      %sign3A_107 = arith.constant 0 : i32
      %sign3A_108 = arith.cmpi slt, %add3A_101, %sign3A_107 : i32
      %sign3A_109 = arith.extui %sign3A_108 : i1 to i32
      %sign3A_110 = arith.subi %sign3A_106, %sign3A_109 : i32
      %sign3A_111 = arith.constant 0 : i32
      %sign3A_112 = arith.cmpi sgt, %jit3A_102, %sign3A_111 : i32
      %sign3A_113 = arith.extui %sign3A_112 : i1 to i32
      %sign3A_114 = arith.constant 0 : i32
      %sign3A_115 = arith.cmpi slt, %jit3A_102, %sign3A_114 : i32
      %sign3A_116 = arith.extui %sign3A_115 : i1 to i32
      %sign3A_117 = arith.subi %sign3A_113, %sign3A_116 : i32
      %ne3A_118 = arith.cmpi ne, %sign3A_110, %sign3A_117 : i32
      %rem3A_119 = arith.remsi %add3A_101, %jit3A_102 : i32
      %ne3A_120 = arith.constant 0 : i32
      %ne3A_121 = arith.cmpi ne, %rem3A_119, %ne3A_120 : i32
      %and3A_122 = arith.andi %ne3A_118, %ne3A_121 : i1
      %sub3A_123 = arith.constant 1 : i32
      %sub3A_124 = arith.subi %div3A_103, %sub3A_123 : i32
      %select_n3A_125 = arith.select %and3A_122, %sub3A_124, %div3A_103 : i32
      %sub3A_126 = arith.subi %select_n3A_125, %select_n3A : i32
      %mul3A_127 = arith.constant 24576 : i32
      %mul3A_128 = arith.muli %sub3A_126, %mul3A_127 : i32
      %scan3A_129 = arith.constant 0 : i32
      %scan3A_130 = arith.constant 0 : i32
      %scan3A_131 = arith.constant 24 : i32
      %scan3A_132 = arith.addi %scan3A_130, %scan3A_131 : i32
      %scan3A_133 = arith.constant 1 : i32
      %scan3A_134 = scf.for %scan3A_136 = %scan3A_130 to %scan3A_132 step %scan3A_133 iter_args(%scan3A_137 = %scan3A_129) -> (i32)  : i32 {
        %mul3A_138 = arith.constant 8 : i32
        %mul3A_139 = arith.muli %scan3A_136, %mul3A_138 : i32
        %add3A_140 = arith.constant 0 : i32
        %add3A_141 = arith.addi %mul3A_139, %add3A_140 : i32
        %mul3A_142 = arith.constant 16 : i32
        %mul3A_143 = arith.muli %add3A_141, %mul3A_142 : i32
        %get3A = arith.index_cast %mul3A_143 : i32 to index
        %get3A_144 = tpu.vector_load %arg5[%get3A] {strides = array<i32>} : memref<3072xi32, #tpu.memory_space<vmem>>, vector<16xi32>,
        %lt3A_145 = arith.constant 0 : i32
        %lt3A_146 = vector.broadcast %lt3A_145 : i32 to vector<16xi32>
        %lt3A_147 = arith.cmpi slt, %get3A_144, %lt3A_146 : vector<16xi32>
        %shift_right_arithmetic3A = arith.constant 16 : i32
        %shift_right_arithmetic3A_148 = vector.broadcast %shift_right_arithmetic3A : i32 to vector<16xi32>
        %shift_right_arithmetic3A_149 = arith.shrsi %get3A_144, %shift_right_arithmetic3A_148 : vector<16xi32>
        %and3A_150 = arith.constant 8191 : i32
        %and3A_151 = vector.broadcast %and3A_150 : i32 to vector<16xi32>
        %and3A_152 = arith.andi %shift_right_arithmetic3A_149, %and3A_151 : vector<16xi32>
        %add3A_153 = vector.broadcast %mul3A_128 : i32 to vector<16xi32>
        %add3A_154 = arith.addi %and3A_152, %add3A_153 : vector<16xi32>
        %and3A_155 = arith.constant 65535 : i32
        %and3A_156 = vector.broadcast %and3A_155 : i32 to vector<16xi32>
        %and3A_157 = arith.andi %get3A_144, %and3A_156 : vector<16xi32>
        %mul3A_158 = arith.constant 8 : i32
        %mul3A_159 = arith.muli %scan3A_136, %mul3A_158 : i32
        %add3A_160 = arith.constant 1 : i32
        %add3A_161 = arith.addi %mul3A_159, %add3A_160 : i32
        %mul3A_162 = arith.constant 16 : i32
        %mul3A_163 = arith.muli %add3A_161, %mul3A_162 : i32
        %get3A_164 = arith.index_cast %mul3A_163 : i32 to index
        %get3A_165 = tpu.vector_load %arg5[%get3A_164] {strides = array<i32>} : memref<3072xi32, #tpu.memory_space<vmem>>, vector<16xi32>,
        %lt3A_166 = arith.constant 0 : i32
        %lt3A_167 = vector.broadcast %lt3A_166 : i32 to vector<16xi32>
        %lt3A_168 = arith.cmpi slt, %get3A_165, %lt3A_167 : vector<16xi32>
        %shift_right_arithmetic3A_169 = arith.constant 16 : i32
        %shift_right_arithmetic3A_170 = vector.broadcast %shift_right_arithmetic3A_169 : i32 to vector<16xi32>
        %shift_right_arithmetic3A_171 = arith.shrsi %get3A_165, %shift_right_arithmetic3A_170 : vector<16xi32>
        %and3A_172 = arith.constant 8191 : i32
        %and3A_173 = vector.broadcast %and3A_172 : i32 to vector<16xi32>
        %and3A_174 = arith.andi %shift_right_arithmetic3A_171, %and3A_173 : vector<16xi32>
        %add3A_175 = vector.broadcast %mul3A_128 : i32 to vector<16xi32>
        %add3A_176 = arith.addi %and3A_174, %add3A_175 : vector<16xi32>
        %and3A_177 = arith.constant 65535 : i32
        %and3A_178 = vector.broadcast %and3A_177 : i32 to vector<16xi32>
        %and3A_179 = arith.andi %get3A_165, %and3A_178 : vector<16xi32>
        %mul3A_180 = arith.constant 8 : i32
        %mul3A_181 = arith.muli %scan3A_136, %mul3A_180 : i32
        %add3A_182 = arith.constant 2 : i32
        %add3A_183 = arith.addi %mul3A_181, %add3A_182 : i32
        %mul3A_184 = arith.constant 16 : i32
        %mul3A_185 = arith.muli %add3A_183, %mul3A_184 : i32
        %get3A_186 = arith.index_cast %mul3A_185 : i32 to index
        %get3A_187 = tpu.vector_load %arg5[%get3A_186] {strides = array<i32>} : memref<3072xi32, #tpu.memory_space<vmem>>, vector<16xi32>,
        %lt3A_188 = arith.constant 0 : i32
        %lt3A_189 = vector.broadcast %lt3A_188 : i32 to vector<16xi32>
        %lt3A_190 = arith.cmpi slt, %get3A_187, %lt3A_189 : vector<16xi32>
        %shift_right_arithmetic3A_191 = arith.constant 16 : i32
        %shift_right_arithmetic3A_192 = vector.broadcast %shift_right_arithmetic3A_191 : i32 to vector<16xi32>
        %shift_right_arithmetic3A_193 = arith.shrsi %get3A_187, %shift_right_arithmetic3A_192 : vector<16xi32>
        %and3A_194 = arith.constant 8191 : i32
        %and3A_195 = vector.broadcast %and3A_194 : i32 to vector<16xi32>
        %and3A_196 = arith.andi %shift_right_arithmetic3A_193, %and3A_195 : vector<16xi32>
        %add3A_197 = vector.broadcast %mul3A_128 : i32 to vector<16xi32>
        %add3A_198 = arith.addi %and3A_196, %add3A_197 : vector<16xi32>
        %and3A_199 = arith.constant 65535 : i32
        %and3A_200 = vector.broadcast %and3A_199 : i32 to vector<16xi32>
        %and3A_201 = arith.andi %get3A_187, %and3A_200 : vector<16xi32>
        %mul3A_202 = arith.constant 8 : i32
        %mul3A_203 = arith.muli %scan3A_136, %mul3A_202 : i32
        %add3A_204 = arith.constant 3 : i32
        %add3A_205 = arith.addi %mul3A_203, %add3A_204 : i32
        %mul3A_206 = arith.constant 16 : i32
        %mul3A_207 = arith.muli %add3A_205, %mul3A_206 : i32
        %get3A_208 = arith.index_cast %mul3A_207 : i32 to index
        %get3A_209 = tpu.vector_load %arg5[%get3A_208] {strides = array<i32>} : memref<3072xi32, #tpu.memory_space<vmem>>, vector<16xi32>,
        %lt3A_210 = arith.constant 0 : i32
        %lt3A_211 = vector.broadcast %lt3A_210 : i32 to vector<16xi32>
        %lt3A_212 = arith.cmpi slt, %get3A_209, %lt3A_211 : vector<16xi32>
        %shift_right_arithmetic3A_213 = arith.constant 16 : i32
        %shift_right_arithmetic3A_214 = vector.broadcast %shift_right_arithmetic3A_213 : i32 to vector<16xi32>
        %shift_right_arithmetic3A_215 = arith.shrsi %get3A_209, %shift_right_arithmetic3A_214 : vector<16xi32>
        %and3A_216 = arith.constant 8191 : i32
        %and3A_217 = vector.broadcast %and3A_216 : i32 to vector<16xi32>
        %and3A_218 = arith.andi %shift_right_arithmetic3A_215, %and3A_217 : vector<16xi32>
        %add3A_219 = vector.broadcast %mul3A_128 : i32 to vector<16xi32>
        %add3A_220 = arith.addi %and3A_218, %add3A_219 : vector<16xi32>
        %and3A_221 = arith.constant 65535 : i32
        %and3A_222 = vector.broadcast %and3A_221 : i32 to vector<16xi32>
        %and3A_223 = arith.andi %get3A_209, %and3A_222 : vector<16xi32>
        %mul3A_224 = arith.constant 8 : i32
        %mul3A_225 = arith.muli %scan3A_136, %mul3A_224 : i32
        %add3A_226 = arith.constant 4 : i32
        %add3A_227 = arith.addi %mul3A_225, %add3A_226 : i32
        %mul3A_228 = arith.constant 16 : i32
        %mul3A_229 = arith.muli %add3A_227, %mul3A_228 : i32
        %get3A_230 = arith.index_cast %mul3A_229 : i32 to index
        %get3A_231 = tpu.vector_load %arg5[%get3A_230] {strides = array<i32>} : memref<3072xi32, #tpu.memory_space<vmem>>, vector<16xi32>,
        %lt3A_232 = arith.constant 0 : i32
        %lt3A_233 = vector.broadcast %lt3A_232 : i32 to vector<16xi32>
        %lt3A_234 = arith.cmpi slt, %get3A_231, %lt3A_233 : vector<16xi32>
        %shift_right_arithmetic3A_235 = arith.constant 16 : i32
        %shift_right_arithmetic3A_236 = vector.broadcast %shift_right_arithmetic3A_235 : i32 to vector<16xi32>
        %shift_right_arithmetic3A_237 = arith.shrsi %get3A_231, %shift_right_arithmetic3A_236 : vector<16xi32>
        %and3A_238 = arith.constant 8191 : i32
        %and3A_239 = vector.broadcast %and3A_238 : i32 to vector<16xi32>
        %and3A_240 = arith.andi %shift_right_arithmetic3A_237, %and3A_239 : vector<16xi32>
        %add3A_241 = vector.broadcast %mul3A_128 : i32 to vector<16xi32>
        %add3A_242 = arith.addi %and3A_240, %add3A_241 : vector<16xi32>
        %and3A_243 = arith.constant 65535 : i32
        %and3A_244 = vector.broadcast %and3A_243 : i32 to vector<16xi32>
        %and3A_245 = arith.andi %get3A_231, %and3A_244 : vector<16xi32>
        %mul3A_246 = arith.constant 8 : i32
        %mul3A_247 = arith.muli %scan3A_136, %mul3A_246 : i32
        %add3A_248 = arith.constant 5 : i32
        %add3A_249 = arith.addi %mul3A_247, %add3A_248 : i32
        %mul3A_250 = arith.constant 16 : i32
        %mul3A_251 = arith.muli %add3A_249, %mul3A_250 : i32
        %get3A_252 = arith.index_cast %mul3A_251 : i32 to index
        %get3A_253 = tpu.vector_load %arg5[%get3A_252] {strides = array<i32>} : memref<3072xi32, #tpu.memory_space<vmem>>, vector<16xi32>,
        %lt3A_254 = arith.constant 0 : i32
        %lt3A_255 = vector.broadcast %lt3A_254 : i32 to vector<16xi32>
        %lt3A_256 = arith.cmpi slt, %get3A_253, %lt3A_255 : vector<16xi32>
        %shift_right_arithmetic3A_257 = arith.constant 16 : i32
        %shift_right_arithmetic3A_258 = vector.broadcast %shift_right_arithmetic3A_257 : i32 to vector<16xi32>
        %shift_right_arithmetic3A_259 = arith.shrsi %get3A_253, %shift_right_arithmetic3A_258 : vector<16xi32>
        %and3A_260 = arith.constant 8191 : i32
        %and3A_261 = vector.broadcast %and3A_260 : i32 to vector<16xi32>
        %and3A_262 = arith.andi %shift_right_arithmetic3A_259, %and3A_261 : vector<16xi32>
        %add3A_263 = vector.broadcast %mul3A_128 : i32 to vector<16xi32>
        %add3A_264 = arith.addi %and3A_262, %add3A_263 : vector<16xi32>
        %and3A_265 = arith.constant 65535 : i32
        %and3A_266 = vector.broadcast %and3A_265 : i32 to vector<16xi32>
        %and3A_267 = arith.andi %get3A_253, %and3A_266 : vector<16xi32>
        %mul3A_268 = arith.constant 8 : i32
        %mul3A_269 = arith.muli %scan3A_136, %mul3A_268 : i32
        %add3A_270 = arith.constant 6 : i32
        %add3A_271 = arith.addi %mul3A_269, %add3A_270 : i32
        %mul3A_272 = arith.constant 16 : i32
        %mul3A_273 = arith.muli %add3A_271, %mul3A_272 : i32
        %get3A_274 = arith.index_cast %mul3A_273 : i32 to index
        %get3A_275 = tpu.vector_load %arg5[%get3A_274] {strides = array<i32>} : memref<3072xi32, #tpu.memory_space<vmem>>, vector<16xi32>,
        %lt3A_276 = arith.constant 0 : i32
        %lt3A_277 = vector.broadcast %lt3A_276 : i32 to vector<16xi32>
        %lt3A_278 = arith.cmpi slt, %get3A_275, %lt3A_277 : vector<16xi32>
        %shift_right_arithmetic3A_279 = arith.constant 16 : i32
        %shift_right_arithmetic3A_280 = vector.broadcast %shift_right_arithmetic3A_279 : i32 to vector<16xi32>
        %shift_right_arithmetic3A_281 = arith.shrsi %get3A_275, %shift_right_arithmetic3A_280 : vector<16xi32>
        %and3A_282 = arith.constant 8191 : i32
        %and3A_283 = vector.broadcast %and3A_282 : i32 to vector<16xi32>
        %and3A_284 = arith.andi %shift_right_arithmetic3A_281, %and3A_283 : vector<16xi32>
        %add3A_285 = vector.broadcast %mul3A_128 : i32 to vector<16xi32>
        %add3A_286 = arith.addi %and3A_284, %add3A_285 : vector<16xi32>
        %and3A_287 = arith.constant 65535 : i32
        %and3A_288 = vector.broadcast %and3A_287 : i32 to vector<16xi32>
        %and3A_289 = arith.andi %get3A_275, %and3A_288 : vector<16xi32>
        %mul3A_290 = arith.constant 8 : i32
        %mul3A_291 = arith.muli %scan3A_136, %mul3A_290 : i32
        %add3A_292 = arith.constant 7 : i32
        %add3A_293 = arith.addi %mul3A_291, %add3A_292 : i32
        %mul3A_294 = arith.constant 16 : i32
        %mul3A_295 = arith.muli %add3A_293, %mul3A_294 : i32
        %get3A_296 = arith.index_cast %mul3A_295 : i32 to index
        %get3A_297 = tpu.vector_load %arg5[%get3A_296] {strides = array<i32>} : memref<3072xi32, #tpu.memory_space<vmem>>, vector<16xi32>,
        %lt3A_298 = arith.constant 0 : i32
        %lt3A_299 = vector.broadcast %lt3A_298 : i32 to vector<16xi32>
        %lt3A_300 = arith.cmpi slt, %get3A_297, %lt3A_299 : vector<16xi32>
        %shift_right_arithmetic3A_301 = arith.constant 16 : i32
        %shift_right_arithmetic3A_302 = vector.broadcast %shift_right_arithmetic3A_301 : i32 to vector<16xi32>
        %shift_right_arithmetic3A_303 = arith.shrsi %get3A_297, %shift_right_arithmetic3A_302 : vector<16xi32>
        %and3A_304 = arith.constant 8191 : i32
        %and3A_305 = vector.broadcast %and3A_304 : i32 to vector<16xi32>
        %and3A_306 = arith.andi %shift_right_arithmetic3A_303, %and3A_305 : vector<16xi32>
        %add3A_307 = vector.broadcast %mul3A_128 : i32 to vector<16xi32>
        %add3A_308 = arith.addi %and3A_306, %add3A_307 : vector<16xi32>
        %and3A_309 = arith.constant 65535 : i32
        %and3A_310 = vector.broadcast %and3A_309 : i32 to vector<16xi32>
        %and3A_311 = arith.andi %get3A_297, %and3A_310 : vector<16xi32>
        tpu.vector_store_idx %arg6[%add3A_154], %and3A_157 {add = true} : memref<98304xi32, #tpu.memory_space<vmem>>[vector<16xi32>], vector<16xi32>,
        %add3A_312 = arith.constant 8192 : i32
        %add3A_313 = vector.broadcast %add3A_312 : i32 to vector<16xi32>
        %add3A_314 = arith.addi %add3A_154, %add3A_313 : vector<16xi32>
        tpu.vector_store_idx %arg6[%add3A_314], %broadcast_in_dim3A_19 masked %lt3A_147 {add = true} : memref<98304xi32, #tpu.memory_space<vmem>>[vector<16xi32>], vector<16xi32>, vector<16xi1>
        %add3A_315 = arith.constant 16384 : i32
        %add3A_316 = vector.broadcast %add3A_315 : i32 to vector<16xi32>
        %add3A_317 = arith.addi %add3A_154, %add3A_316 : vector<16xi32>
        tpu.vector_store_idx %arg6[%add3A_317], %and3A_157 masked %lt3A_147 {add = true} : memref<98304xi32, #tpu.memory_space<vmem>>[vector<16xi32>], vector<16xi32>, vector<16xi1>
        tpu.vector_store_idx %arg6[%add3A_176], %and3A_179 {add = true} : memref<98304xi32, #tpu.memory_space<vmem>>[vector<16xi32>], vector<16xi32>,
        %add3A_318 = arith.constant 8192 : i32
        %add3A_319 = vector.broadcast %add3A_318 : i32 to vector<16xi32>
        %add3A_320 = arith.addi %add3A_176, %add3A_319 : vector<16xi32>
        tpu.vector_store_idx %arg6[%add3A_320], %broadcast_in_dim3A_19 masked %lt3A_168 {add = true} : memref<98304xi32, #tpu.memory_space<vmem>>[vector<16xi32>], vector<16xi32>, vector<16xi1>
        %add3A_321 = arith.constant 16384 : i32
        %add3A_322 = vector.broadcast %add3A_321 : i32 to vector<16xi32>
        %add3A_323 = arith.addi %add3A_176, %add3A_322 : vector<16xi32>
        tpu.vector_store_idx %arg6[%add3A_323], %and3A_179 masked %lt3A_168 {add = true} : memref<98304xi32, #tpu.memory_space<vmem>>[vector<16xi32>], vector<16xi32>, vector<16xi1>
        tpu.vector_store_idx %arg6[%add3A_198], %and3A_201 {add = true} : memref<98304xi32, #tpu.memory_space<vmem>>[vector<16xi32>], vector<16xi32>,
        %add3A_324 = arith.constant 8192 : i32
        %add3A_325 = vector.broadcast %add3A_324 : i32 to vector<16xi32>
        %add3A_326 = arith.addi %add3A_198, %add3A_325 : vector<16xi32>
        tpu.vector_store_idx %arg6[%add3A_326], %broadcast_in_dim3A_19 masked %lt3A_190 {add = true} : memref<98304xi32, #tpu.memory_space<vmem>>[vector<16xi32>], vector<16xi32>, vector<16xi1>
        %add3A_327 = arith.constant 16384 : i32
        %add3A_328 = vector.broadcast %add3A_327 : i32 to vector<16xi32>
        %add3A_329 = arith.addi %add3A_198, %add3A_328 : vector<16xi32>
        tpu.vector_store_idx %arg6[%add3A_329], %and3A_201 masked %lt3A_190 {add = true} : memref<98304xi32, #tpu.memory_space<vmem>>[vector<16xi32>], vector<16xi32>, vector<16xi1>
        tpu.vector_store_idx %arg6[%add3A_220], %and3A_223 {add = true} : memref<98304xi32, #tpu.memory_space<vmem>>[vector<16xi32>], vector<16xi32>,
        %add3A_330 = arith.constant 8192 : i32
        %add3A_331 = vector.broadcast %add3A_330 : i32 to vector<16xi32>
        %add3A_332 = arith.addi %add3A_220, %add3A_331 : vector<16xi32>
        tpu.vector_store_idx %arg6[%add3A_332], %broadcast_in_dim3A_19 masked %lt3A_212 {add = true} : memref<98304xi32, #tpu.memory_space<vmem>>[vector<16xi32>], vector<16xi32>, vector<16xi1>
        %add3A_333 = arith.constant 16384 : i32
        %add3A_334 = vector.broadcast %add3A_333 : i32 to vector<16xi32>
        %add3A_335 = arith.addi %add3A_220, %add3A_334 : vector<16xi32>
        tpu.vector_store_idx %arg6[%add3A_335], %and3A_223 masked %lt3A_212 {add = true} : memref<98304xi32, #tpu.memory_space<vmem>>[vector<16xi32>], vector<16xi32>, vector<16xi1>
        tpu.vector_store_idx %arg6[%add3A_242], %and3A_245 {add = true} : memref<98304xi32, #tpu.memory_space<vmem>>[vector<16xi32>], vector<16xi32>,
        %add3A_336 = arith.constant 8192 : i32
        %add3A_337 = vector.broadcast %add3A_336 : i32 to vector<16xi32>
        %add3A_338 = arith.addi %add3A_242, %add3A_337 : vector<16xi32>
        tpu.vector_store_idx %arg6[%add3A_338], %broadcast_in_dim3A_19 masked %lt3A_234 {add = true} : memref<98304xi32, #tpu.memory_space<vmem>>[vector<16xi32>], vector<16xi32>, vector<16xi1>
        %add3A_339 = arith.constant 16384 : i32
        %add3A_340 = vector.broadcast %add3A_339 : i32 to vector<16xi32>
        %add3A_341 = arith.addi %add3A_242, %add3A_340 : vector<16xi32>
        tpu.vector_store_idx %arg6[%add3A_341], %and3A_245 masked %lt3A_234 {add = true} : memref<98304xi32, #tpu.memory_space<vmem>>[vector<16xi32>], vector<16xi32>, vector<16xi1>
        tpu.vector_store_idx %arg6[%add3A_264], %and3A_267 {add = true} : memref<98304xi32, #tpu.memory_space<vmem>>[vector<16xi32>], vector<16xi32>,
        %add3A_342 = arith.constant 8192 : i32
        %add3A_343 = vector.broadcast %add3A_342 : i32 to vector<16xi32>
        %add3A_344 = arith.addi %add3A_264, %add3A_343 : vector<16xi32>
        tpu.vector_store_idx %arg6[%add3A_344], %broadcast_in_dim3A_19 masked %lt3A_256 {add = true} : memref<98304xi32, #tpu.memory_space<vmem>>[vector<16xi32>], vector<16xi32>, vector<16xi1>
        %add3A_345 = arith.constant 16384 : i32
        %add3A_346 = vector.broadcast %add3A_345 : i32 to vector<16xi32>
        %add3A_347 = arith.addi %add3A_264, %add3A_346 : vector<16xi32>
        tpu.vector_store_idx %arg6[%add3A_347], %and3A_267 masked %lt3A_256 {add = true} : memref<98304xi32, #tpu.memory_space<vmem>>[vector<16xi32>], vector<16xi32>, vector<16xi1>
        tpu.vector_store_idx %arg6[%add3A_286], %and3A_289 {add = true} : memref<98304xi32, #tpu.memory_space<vmem>>[vector<16xi32>], vector<16xi32>,
        %add3A_348 = arith.constant 8192 : i32
        %add3A_349 = vector.broadcast %add3A_348 : i32 to vector<16xi32>
        %add3A_350 = arith.addi %add3A_286, %add3A_349 : vector<16xi32>
        tpu.vector_store_idx %arg6[%add3A_350], %broadcast_in_dim3A_19 masked %lt3A_278 {add = true} : memref<98304xi32, #tpu.memory_space<vmem>>[vector<16xi32>], vector<16xi32>, vector<16xi1>
        %add3A_351 = arith.constant 16384 : i32
        %add3A_352 = vector.broadcast %add3A_351 : i32 to vector<16xi32>
        %add3A_353 = arith.addi %add3A_286, %add3A_352 : vector<16xi32>
        tpu.vector_store_idx %arg6[%add3A_353], %and3A_289 masked %lt3A_278 {add = true} : memref<98304xi32, #tpu.memory_space<vmem>>[vector<16xi32>], vector<16xi32>, vector<16xi1>
        tpu.vector_store_idx %arg6[%add3A_308], %and3A_311 {add = true} : memref<98304xi32, #tpu.memory_space<vmem>>[vector<16xi32>], vector<16xi32>,
        %add3A_354 = arith.constant 8192 : i32
        %add3A_355 = vector.broadcast %add3A_354 : i32 to vector<16xi32>
        %add3A_356 = arith.addi %add3A_308, %add3A_355 : vector<16xi32>
        tpu.vector_store_idx %arg6[%add3A_356], %broadcast_in_dim3A_19 masked %lt3A_300 {add = true} : memref<98304xi32, #tpu.memory_space<vmem>>[vector<16xi32>], vector<16xi32>, vector<16xi1>
        %add3A_357 = arith.constant 16384 : i32
        %add3A_358 = vector.broadcast %add3A_357 : i32 to vector<16xi32>
        %add3A_359 = arith.addi %add3A_308, %add3A_358 : vector<16xi32>
        tpu.vector_store_idx %arg6[%add3A_359], %and3A_311 masked %lt3A_300 {add = true} : memref<98304xi32, #tpu.memory_space<vmem>>[vector<16xi32>], vector<16xi32>, vector<16xi1>
        %scan3A_360 = arith.constant 0 : i32
        scf.yield %scan3A_360 : i32
      }
      %scan3A_135 = arith.constant 24 : i32
    }
    %scan3A_38 = arith.constant 57 : i32
    "tpu.region"() ({
      %run_scoped3A = tpu.sem_alloc : memref<!tpu.dma_semaphore, #tpu.memory_space<semaphore_mem>>
      %dma_start3A_39 = arith.constant 0 : i32
      %dma_start3A_40 = tpu.memref_slice %arg3[%add3A, %dma_start3A_39] : memref<32x98304xi32, #tpu.memory_space<hbm>> -> memref<1x98304xi32, #tpu.memory_space<hbm>>
      %dma_start3A_41 = tpu.memref_squeeze %dma_start3A_40 : memref<1x98304xi32, #tpu.memory_space<hbm>> -> memref<98304xi32, #tpu.memory_space<hbm>>
      %dma_start3A_42 = arith.constant 0 : i32
      %dma_start3A_43 = tpu.memref_slice %arg3[%add3A, %dma_start3A_42] : memref<32x98304xi32, #tpu.memory_space<hbm>> -> memref<1x98304xi32, #tpu.memory_space<hbm>>
      %dma_start3A_44 = tpu.memref_squeeze %dma_start3A_43 : memref<1x98304xi32, #tpu.memory_space<hbm>> -> memref<98304xi32, #tpu.memory_space<hbm>>
      tpu.enqueue_dma source(%arg6 : memref<98304xi32, #tpu.memory_space<vmem>>) target(%dma_start3A_44 : memref<98304xi32, #tpu.memory_space<hbm>>) target_semaphore(%run_scoped3A : memref<!tpu.dma_semaphore, #tpu.memory_space<semaphore_mem>>)
      %dma_wait3A = arith.constant 0 : i32
      %dma_wait3A_45 = tpu.memref_slice %arg3[%add3A, %dma_wait3A] : memref<32x98304xi32, #tpu.memory_space<hbm>> -> memref<1x98304xi32, #tpu.memory_space<hbm>>
      %dma_wait3A_46 = tpu.memref_squeeze %dma_wait3A_45 : memref<1x98304xi32, #tpu.memory_space<hbm>> -> memref<98304xi32, #tpu.memory_space<hbm>>
      %dma_wait3A_47 = arith.constant 0 : i32
      %dma_wait3A_48 = tpu.memref_slice %arg3[%add3A, %dma_wait3A_47] : memref<32x98304xi32, #tpu.memory_space<hbm>> -> memref<1x98304xi32, #tpu.memory_space<hbm>>
      %dma_wait3A_49 = tpu.memref_squeeze %dma_wait3A_48 : memref<1x98304xi32, #tpu.memory_space<hbm>> -> memref<98304xi32, #tpu.memory_space<hbm>>
      tpu.wait_dma2 semaphore(%run_scoped3A : memref<!tpu.dma_semaphore, #tpu.memory_space<semaphore_mem>>) src(%arg6 : memref<98304xi32, #tpu.memory_space<vmem>>) dst(%dma_wait3A_49 : memref<98304xi32, #tpu.memory_space<hbm>>)
      tpu.yield
    }) : () -> ()
    return
  }
}

module attributes {stable_mosaic.version = 14 : i64} {
  func.func @_stage1_body(%arg0: i32, %arg1: i32, %arg2: memref<1x19x36864xf32, #tpu.memory_space<vmem>>, %arg3: memref<1x1x36864xi32, #tpu.memory_space<vmem>>, %arg4: memref<1x1x36864xf32, #tpu.memory_space<vmem>>, %arg5: memref<1x1x36864xf32, #tpu.memory_space<vmem>>, %arg6: memref<1x19x36864xi32, #tpu.memory_space<vmem>>, %arg7: memref<1x128xf32, #tpu.memory_space<vmem>>) attributes {dimension_semantics = [#tpu.dimension_semantics<arbitrary>, #tpu.dimension_semantics<arbitrary>], iteration_bounds = array<i64: 4, 4>, scalar_prefetch = 0 : i64, scratch_operands = 0 : i64, tpu.core_type = #tpu.core_type<tc>, window_params = [{transform_indices = @transform_0, window_bounds = array<i64: 1, 19, 36864>}, {transform_indices = @transform_1, window_bounds = array<i64: 1, 1, 36864>}, {transform_indices = @transform_2, window_bounds = array<i64: 1, 1, 36864>}, {transform_indices = @transform_3, window_bounds = array<i64: 1, 1, 36864>}, {transform_indices = @transform_4, window_bounds = array<i64: 1, 19, 36864>}, {pipeline_mode = #tpu.pipeline_mode<synchronous>, transform_indices = @transform_5, window_bounds = array<i64: 1, 128>}]} {
    %get3A = arith.constant 0 : index
    %get3A_0 = arith.constant 0 : index
    %get3A_1 = arith.constant 0 : index
    %get3A_2 = vector.load %arg2[%get3A, %get3A_0, %get3A_1] : memref<1x19x36864xf32, #tpu.memory_space<vmem>>, vector<1x19x36864xf32>
    %get3A_3 = vector.shape_cast %get3A_2 : vector<1x19x36864xf32> to vector<19x36864xf32>
    %reduce_max3A = arith.constant dense<0xFF800000> : vector<36864xf32>
    %reduce_max3A_4 = vector.multi_reduction <maximumf>, %get3A_3, %reduce_max3A [0] : vector<19x36864xf32> to vector<36864xf32>
    %broadcast_in_dim3A = vector.shape_cast %reduce_max3A_4 : vector<36864xf32> to vector<1x36864xf32>
    %sub3A = vector.broadcast %broadcast_in_dim3A : vector<1x36864xf32> to vector<19x36864xf32>
    %sub3A_5 = arith.subf %get3A_3, %sub3A : vector<19x36864xf32>
    %exp3A = math.exp %sub3A_5 : vector<19x36864xf32>
    %reduce_sum3A = arith.constant dense<0.000000e+00> : vector<36864xf32>
    %reduce_sum3A_6 = vector.multi_reduction <add>, %exp3A, %reduce_sum3A [0] : vector<19x36864xf32> to vector<36864xf32>
    %broadcast_in_dim3A_7 = vector.shape_cast %reduce_sum3A_6 : vector<36864xf32> to vector<1x36864xf32>
    %div3A = arith.constant 1.000000e+00 : f32
    %div3A_8 = vector.broadcast %div3A : f32 to vector<1x36864xf32>
    %div3A_9 = arith.divf %div3A_8, %broadcast_in_dim3A_7 : vector<1x36864xf32>
    %mul3A = vector.broadcast %div3A_9 : vector<1x36864xf32> to vector<19x36864xf32>
    %mul3A_10 = arith.mulf %exp3A, %mul3A : vector<19x36864xf32>
    %get3A_11 = arith.constant 0 : index
    %get3A_12 = arith.constant 0 : index
    %get3A_13 = arith.constant 0 : index
    %get3A_14 = vector.load %arg3[%get3A_11, %get3A_12, %get3A_13] : memref<1x1x36864xi32, #tpu.memory_space<vmem>>, vector<1x1x36864xi32>
    %get3A_15 = vector.shape_cast %get3A_14 : vector<1x1x36864xi32> to vector<36864xi32>
    %iota3A = tpu.iota {dimensions = array<i32: 0>} : vector<19x36864xi32>
    %broadcast_in_dim3A_16 = vector.shape_cast %get3A_15 : vector<36864xi32> to vector<1x36864xi32>
    %eq3A = vector.broadcast %broadcast_in_dim3A_16 : vector<1x36864xi32> to vector<19x36864xi32>
    %eq3A_17 = arith.cmpi eq, %eq3A, %iota3A : vector<19x36864xi32>
    %convert_element_type3A = arith.extui %eq3A_17 : vector<19x36864xi1> to vector<19x36864xi32>
    %convert_element_type3A_18 = arith.sitofp %convert_element_type3A : vector<19x36864xi32> to vector<19x36864xf32>
    %sub3A_19 = arith.subf %mul3A_10, %convert_element_type3A_18 : vector<19x36864xf32>
    %abs3A = math.absf %sub3A_19 : vector<19x36864xf32>
    %iota3A_20 = tpu.iota {dimensions = array<i32: 1>} : vector<19x36864xi32>
    %and3A = arith.constant 15 : i32
    %and3A_21 = vector.broadcast %and3A : i32 to vector<19x36864xi32>
    %and3A_22 = arith.andi %iota3A_20, %and3A_21 : vector<19x36864xi32>
    %mul3A_23 = arith.constant 3.276800e+04 : f32
    %mul3A_24 = vector.broadcast %mul3A_23 : f32 to vector<19x36864xf32>
    %mul3A_25 = arith.mulf %abs3A, %mul3A_24 : vector<19x36864xf32>
    %add3A = arith.constant 5.000000e-01 : f32
    %add3A_26 = vector.broadcast %add3A : f32 to vector<19x36864xf32>
    %add3A_27 = arith.addf %mul3A_25, %add3A_26 : vector<19x36864xf32>
    %convert_element_type3A_28 = arith.fptosi %add3A_27 : vector<19x36864xf32> to vector<19x36864xi32>
    %min3A = arith.constant 32767 : i32
    %min3A_29 = vector.broadcast %min3A : i32 to vector<19x36864xi32>
    %min3A_30 = arith.minsi %convert_element_type3A_28, %min3A_29 : vector<19x36864xi32>
    %shift_right_arithmetic3A = arith.constant 2 : i32
    %shift_right_arithmetic3A_31 = vector.broadcast %shift_right_arithmetic3A : i32 to vector<19x36864xi32>
    %shift_right_arithmetic3A_32 = arith.shrsi %min3A_30, %shift_right_arithmetic3A_31 : vector<19x36864xi32>
    %and3A_33 = arith.constant 65520 : i32
    %and3A_34 = vector.broadcast %and3A_33 : i32 to vector<19x36864xi32>
    %and3A_35 = arith.andi %shift_right_arithmetic3A_32, %and3A_34 : vector<19x36864xi32>
    %or3A = arith.ori %and3A_35, %and3A_22 : vector<19x36864xi32>
    %convert_element_type3A_36 = arith.extui %eq3A_17 : vector<19x36864xi1> to vector<19x36864xi32>
    %shift_left3A = arith.constant 31 : i32
    %shift_left3A_37 = vector.broadcast %shift_left3A : i32 to vector<19x36864xi32>
    %shift_left3A_38 = arith.shli %convert_element_type3A_36, %shift_left3A_37 : vector<19x36864xi32>
    %shift_left3A_39 = arith.constant 16 : i32
    %shift_left3A_40 = vector.broadcast %shift_left3A_39 : i32 to vector<19x36864xi32>
    %shift_left3A_41 = arith.shli %or3A, %shift_left3A_40 : vector<19x36864xi32>
    %or3A_42 = arith.ori %shift_left3A_38, %shift_left3A_41 : vector<19x36864xi32>
    %or3A_43 = arith.ori %or3A_42, %min3A_30 : vector<19x36864xi32>
    %swap3A = arith.constant 0 : index
    %swap3A_44 = arith.constant 0 : index
    %swap3A_45 = arith.constant 0 : index
    %swap3A_46 = vector.load %arg6[%swap3A, %swap3A_44, %swap3A_45] : memref<1x19x36864xi32, #tpu.memory_space<vmem>>, vector<1x19x36864xi32>
    %swap3A_47 = vector.shape_cast %swap3A_46 : vector<1x19x36864xi32> to vector<19x36864xi32>
    %swap3A_48 = vector.shape_cast %or3A_43 : vector<19x36864xi32> to vector<1x19x36864xi32>
    tpu.vector_store %arg6[%swap3A, %swap3A_44, %swap3A_45], %swap3A_48 {strides = array<i32>} : memref<1x19x36864xi32, #tpu.memory_space<vmem>>, vector<1x19x36864xi32>,
    %get3A_49 = arith.constant 0 : index
    %get3A_50 = arith.constant 0 : index
    %get3A_51 = arith.constant 0 : index
    %get3A_52 = vector.load %arg4[%get3A_49, %get3A_50, %get3A_51] : memref<1x1x36864xf32, #tpu.memory_space<vmem>>, vector<1x1x36864xf32>
    %get3A_53 = vector.shape_cast %get3A_52 : vector<1x1x36864xf32> to vector<36864xf32>
    %get3A_54 = arith.constant 0 : index
    %get3A_55 = arith.constant 0 : index
    %get3A_56 = arith.constant 0 : index
    %get3A_57 = vector.load %arg5[%get3A_54, %get3A_55, %get3A_56] : memref<1x1x36864xf32, #tpu.memory_space<vmem>>, vector<1x1x36864xf32>
    %get3A_58 = vector.shape_cast %get3A_57 : vector<1x1x36864xf32> to vector<36864xf32>
    %sub3A_59 = arith.subf %get3A_53, %get3A_58 : vector<36864xf32>
    %abs3A_60 = math.absf %sub3A_59 : vector<36864xf32>
    %reshape3A = vector.shape_cast %abs3A_60 : vector<36864xf32> to vector<288x128xf32>
    %reduce_sum3A_61 = arith.constant dense<0.000000e+00> : vector<128xf32>
    %reduce_sum3A_62 = vector.multi_reduction <add>, %reshape3A, %reduce_sum3A_61 [0] : vector<288x128xf32> to vector<128xf32>
    %broadcast_in_dim3A_63 = vector.shape_cast %reduce_sum3A_62 : vector<128xf32> to vector<1x128xf32>
    %eq3A_64 = arith.constant 0 : i32
    %eq3A_65 = arith.cmpi eq, %arg0, %eq3A_64 : i32
    %eq3A_66 = arith.constant 0 : i32
    %eq3A_67 = arith.cmpi eq, %arg1, %eq3A_66 : i32
    %and3A_68 = arith.andi %eq3A_65, %eq3A_67 : i1
    %convert_element_type3A_69 = arith.extui %and3A_68 : i1 to i32
    %cond3A = arith.constant 0 : i32
    %cond3A_70 = arith.cmpi ne, %convert_element_type3A_69, %cond3A : i32
    scf.if %cond3A_70 {
      %broadcast_in_dim3A_78 = arith.constant 0.000000e+00 : f32
      %broadcast_in_dim3A_79 = vector.broadcast %broadcast_in_dim3A_78 : f32 to vector<1x128xf32>
      %swap3A_80 = arith.constant 0 : index
      %swap3A_81 = arith.constant 0 : index
      %swap3A_82 = vector.load %arg7[%swap3A_80, %swap3A_81] : memref<1x128xf32, #tpu.memory_space<vmem>>, vector<1x128xf32>
      tpu.vector_store %arg7[%swap3A_80, %swap3A_81], %broadcast_in_dim3A_79 {strides = array<i32>} : memref<1x128xf32, #tpu.memory_space<vmem>>, vector<1x128xf32>,
    } else {
    }
    %get3A_71 = arith.constant 0 : index
    %get3A_72 = arith.constant 0 : index
    %get3A_73 = vector.load %arg7[%get3A_71, %get3A_72] : memref<1x128xf32, #tpu.memory_space<vmem>>, vector<1x128xf32>
    %add3A_74 = arith.addf %get3A_73, %broadcast_in_dim3A_63 : vector<1x128xf32>
    %swap3A_75 = arith.constant 0 : index
    %swap3A_76 = arith.constant 0 : index
    %swap3A_77 = vector.load %arg7[%swap3A_75, %swap3A_76] : memref<1x128xf32, #tpu.memory_space<vmem>>, vector<1x128xf32>
    tpu.vector_store %arg7[%swap3A_75, %swap3A_76], %add3A_74 {strides = array<i32>} : memref<1x128xf32, #tpu.memory_space<vmem>>, vector<1x128xf32>,
    return
  }
  func.func @transform_0(%arg0: i32, %arg1: i32) -> (i32, i32, i32) {
    %c0_i32 = arith.constant 0 : i32
    %c0_i32_0 = arith.constant 0 : i32
    return %arg0, %c0_i32, %arg1 : i32, i32, i32
  }
  func.func @transform_1(%arg0: i32, %arg1: i32) -> (i32, i32, i32) {
    %c0_i32 = arith.constant 0 : i32
    %c0_i32_0 = arith.constant 0 : i32
    return %arg0, %c0_i32, %arg1 : i32, i32, i32
  }
  func.func @transform_2(%arg0: i32, %arg1: i32) -> (i32, i32, i32) {
    %c0_i32 = arith.constant 0 : i32
    %c0_i32_0 = arith.constant 0 : i32
    return %arg0, %c0_i32, %arg1 : i32, i32, i32
  }
  func.func @transform_3(%arg0: i32, %arg1: i32) -> (i32, i32, i32) {
    %c0_i32 = arith.constant 0 : i32
    %c0_i32_0 = arith.constant 0 : i32
    return %arg0, %c0_i32, %arg1 : i32, i32, i32
  }
  func.func @transform_4(%arg0: i32, %arg1: i32) -> (i32, i32, i32) {
    %c0_i32 = arith.constant 0 : i32
    %c0_i32_0 = arith.constant 0 : i32
    return %arg0, %c0_i32, %arg1 : i32, i32, i32
  }
  func.func @transform_5(%arg0: i32, %arg1: i32) -> (i32, i32) {
    %c0_i32 = arith.constant 0 : i32
    %c0_i32_0 = arith.constant 0 : i32
    %c0_i32_1 = arith.constant 0 : i32
    return %c0_i32, %c0_i32_0 : i32, i32
  }
}

module attributes {stable_mosaic.version = 14 : i64} {
  func.func @_stage3_body(%arg0: memref<32x98304xi32, #tpu.memory_space<vmem>>, %arg1: memref<1x128xf32, #tpu.memory_space<vmem>>, %arg2: memref<19x128xf32, #tpu.memory_space<vmem>>, %arg3: memref<1x1xf32, #tpu.memory_space<vmem>>) attributes {dimension_semantics = [], scalar_prefetch = 0 : i64, scratch_operands = 0 : i64, tpu.core_type = #tpu.core_type<tc>} {
    %get3A = arith.constant 0 : index
    %get3A_0 = arith.constant 0 : index
    %get3A_1 = vector.load %arg0[%get3A, %get3A_0] : memref<32x98304xi32, #tpu.memory_space<vmem>>, vector<32x98304xi32>
    %reshape3A = vector.shape_cast %get3A_1 : vector<32x98304xi32> to vector<128x24576xi32>
    %convert_element_type3A = arith.sitofp %reshape3A : vector<128x24576xi32> to vector<128x24576xf32>
    %get3A_2 = arith.constant 0 : index
    %get3A_3 = arith.constant 0 : index
    %get3A_4 = vector.load %arg2[%get3A_2, %get3A_3] : memref<19x128xf32, #tpu.memory_space<vmem>>, vector<19x128xf32>
    %dot_general3A = arith.constant dense<0.000000e+00> : vector<19x24576xf32>
    %dot_general3A_5 = tpu.matmul %get3A_4, %convert_element_type3A, %dot_general3A {dimension_numbers = #tpu.dot_dimension_numbers<[1], [0], [0], [1], [0, 0, 1, 1], [], []>, transpose_lhs_hint = false} : vector<19x128xf32>, vector<128x24576xf32>, vector<19x24576xf32> -> vector<19x24576xf32>
    %reshape3A_6 = vector.shape_cast %dot_general3A_5 : vector<19x24576xf32> to vector<19x1536x16xf32>
    %reduce_sum3A = arith.constant dense<0.000000e+00> : vector<19x1536xf32>
    %reduce_sum3A_7 = vector.multi_reduction <add>, %reshape3A_6, %reduce_sum3A [2] : vector<19x1536x16xf32> to vector<19x1536xf32>
    %slice3A = vector.extract_strided_slice %reduce_sum3A_7 {offsets = [0, 0], sizes = [19, 512], strides = [1, 1]} : vector<19x1536xf32> to vector<19x512xf32>
    %mul3A = arith.constant 3.05175781E-5 : f32
    %mul3A_8 = vector.broadcast %mul3A : f32 to vector<19x512xf32>
    %mul3A_9 = arith.mulf %slice3A, %mul3A_8 : vector<19x512xf32>
    %slice3A_10 = vector.extract_strided_slice %reduce_sum3A_7 {offsets = [0, 512], sizes = [19, 512], strides = [1, 1]} : vector<19x1536xf32> to vector<19x512xf32>
    %slice3A_11 = vector.extract_strided_slice %reduce_sum3A_7 {offsets = [0, 1024], sizes = [19, 512], strides = [1, 1]} : vector<19x1536xf32> to vector<19x512xf32>
    %mul3A_12 = arith.constant 3.05175781E-5 : f32
    %mul3A_13 = vector.broadcast %mul3A_12 : f32 to vector<19x512xf32>
    %mul3A_14 = arith.mulf %slice3A_11, %mul3A_13 : vector<19x512xf32>
    %reduce_sum3A_15 = arith.constant dense<0.000000e+00> : vector<19xf32>
    %reduce_sum3A_16 = vector.multi_reduction <add>, %mul3A_9, %reduce_sum3A_15 [1] : vector<19x512xf32> to vector<19xf32>
    %reduce_sum3A_17 = arith.constant dense<0.000000e+00> : vector<19xf32>
    %reduce_sum3A_18 = vector.multi_reduction <add>, %mul3A_14, %reduce_sum3A_17 [1] : vector<19x512xf32> to vector<19xf32>
    %reduce_sum3A_19 = arith.constant dense<0.000000e+00> : vector<19xf32>
    %reduce_sum3A_20 = vector.multi_reduction <add>, %slice3A_10, %reduce_sum3A_19 [1] : vector<19x512xf32> to vector<19xf32>
    %iota3A = tpu.iota {dimensions = array<i32: 0>} : vector<512x512xi32>
    %iota3A_21 = tpu.iota {dimensions = array<i32: 1>} : vector<512x512xi32>
    %lt3A = arith.cmpi slt, %iota3A, %iota3A_21 : vector<512x512xi32>
    %convert_element_type3A_22 = arith.extui %lt3A : vector<512x512xi1> to vector<512x512xi32>
    %convert_element_type3A_23 = arith.sitofp %convert_element_type3A_22 : vector<512x512xi32> to vector<512x512xf32>
    %dot_general3A_24 = arith.constant dense<0.000000e+00> : vector<19x512xf32>
    %dot_general3A_25 = tpu.matmul %mul3A_9, %convert_element_type3A_23, %dot_general3A_24 {dimension_numbers = #tpu.dot_dimension_numbers<[1], [0], [0], [1], [0, 0, 1, 1], [], []>, transpose_lhs_hint = false} : vector<19x512xf32>, vector<512x512xf32>, vector<19x512xf32> -> vector<19x512xf32>
    %mul3A_26 = arith.constant 5.000000e-01 : f32
    %mul3A_27 = vector.broadcast %mul3A_26 : f32 to vector<19x512xf32>
    %mul3A_28 = arith.mulf %mul3A_27, %mul3A_9 : vector<19x512xf32>
    %add3A = arith.addf %dot_general3A_25, %mul3A_28 : vector<19x512xf32>
    %mul3A_29 = arith.mulf %slice3A_10, %add3A : vector<19x512xf32>
    %reduce_sum3A_30 = arith.constant dense<0.000000e+00> : vector<19xf32>
    %reduce_sum3A_31 = vector.multi_reduction <add>, %mul3A_29, %reduce_sum3A_30 [1] : vector<19x512xf32> to vector<19xf32>
    %mul3A_32 = arith.constant 5.000000e-01 : f32
    %mul3A_33 = vector.broadcast %mul3A_32 : f32 to vector<19xf32>
    %mul3A_34 = arith.mulf %mul3A_33, %reduce_sum3A_18 : vector<19xf32>
    %sub3A = arith.subf %reduce_sum3A_31, %mul3A_34 : vector<19xf32>
    %max3A = arith.constant 1.000000e+00 : f32
    %max3A_35 = vector.broadcast %max3A : f32 to vector<19xf32>
    %max3A_36 = arith.maximumf %reduce_sum3A_20, %max3A_35 : vector<19xf32>
    %add3A_37 = arith.addf %reduce_sum3A_18, %sub3A : vector<19xf32>
    %div3A = arith.divf %add3A_37, %max3A_36 : vector<19xf32>
    %sub3A_38 = arith.subf %reduce_sum3A_16, %div3A : vector<19xf32>
    %gt3A = arith.constant 0.000000e+00 : f32
    %gt3A_39 = vector.broadcast %gt3A : f32 to vector<19xf32>
    %gt3A_40 = arith.cmpf ogt, %reduce_sum3A_20, %gt3A_39 : vector<19xf32>
    %convert_element_type3A_41 = arith.extui %gt3A_40 : vector<19xi1> to vector<19xi32>
    %convert_element_type3A_42 = arith.sitofp %convert_element_type3A_41 : vector<19xi32> to vector<19xf32>
    %reduce_sum3A_43 = vector.shape_cast %convert_element_type3A_42 : vector<19xf32> to vector<1x19xf32>
    %reduce_sum3A_44 = arith.constant dense<0.000000e+00> : vector<1xf32>
    %reduce_sum3A_45 = vector.multi_reduction <add>, %reduce_sum3A_43, %reduce_sum3A_44 [1] : vector<1x19xf32> to vector<1xf32>
    %reduce_sum3A_46 = vector.shape_cast %reduce_sum3A_45 : vector<1xf32> to vector<1x1xf32>
    %reduce_sum3A_47 = vector.extract %reduce_sum3A_46[0, 0] : f32 from vector<1x1xf32>
    %gt3A_48 = arith.constant 0.000000e+00 : f32
    %gt3A_49 = arith.cmpf ogt, %reduce_sum3A_47, %gt3A_48 : f32
    %mul3A_50 = arith.mulf %sub3A_38, %convert_element_type3A_42 : vector<19xf32>
    %reduce_sum3A_51 = vector.shape_cast %mul3A_50 : vector<19xf32> to vector<1x19xf32>
    %reduce_sum3A_52 = arith.constant dense<0.000000e+00> : vector<1xf32>
    %reduce_sum3A_53 = vector.multi_reduction <add>, %reduce_sum3A_51, %reduce_sum3A_52 [1] : vector<1x19xf32> to vector<1xf32>
    %reduce_sum3A_54 = vector.shape_cast %reduce_sum3A_53 : vector<1xf32> to vector<1x1xf32>
    %reduce_sum3A_55 = vector.extract %reduce_sum3A_54[0, 0] : f32 from vector<1x1xf32>
    %max3A_56 = arith.constant 1.000000e+00 : f32
    %max3A_57 = arith.maximumf %reduce_sum3A_47, %max3A_56 : f32
    %div3A_58 = arith.divf %reduce_sum3A_55, %max3A_57 : f32
    %jit3A = arith.constant 0.000000e+00 : f32
    %select_n3A = arith.select %gt3A_49, %div3A_58, %jit3A : f32
    %get3A_59 = arith.constant 0 : index
    %get3A_60 = arith.constant 0 : index
    %get3A_61 = vector.load %arg1[%get3A_59, %get3A_60] : memref<1x128xf32, #tpu.memory_space<vmem>>, vector<1x128xf32>
    %reduce_sum3A_62 = vector.shape_cast %get3A_61 : vector<1x128xf32> to vector<1x1x128xf32>
    %reduce_sum3A_63 = arith.constant dense<0.000000e+00> : vector<1xf32>
    %reduce_sum3A_64 = vector.multi_reduction <add>, %reduce_sum3A_62, %reduce_sum3A_63 [1, 2] : vector<1x1x128xf32> to vector<1xf32>
    %reduce_sum3A_65 = vector.shape_cast %reduce_sum3A_64 : vector<1xf32> to vector<1x1x1xf32>
    %reduce_sum3A_66 = vector.extract %reduce_sum3A_65[0, 0, 0] : f32 from vector<1x1x1xf32>
    %mul3A_67 = arith.constant 5.000000e-01 : f32
    %mul3A_68 = arith.mulf %mul3A_67, %reduce_sum3A_66 : f32
    %div3A_69 = arith.constant 5.898240e+05 : f32
    %div3A_70 = arith.divf %mul3A_68, %div3A_69 : f32
    %add3A_71 = arith.addf %select_n3A, %div3A_70 : f32
    %broadcast_in_dim3A = vector.broadcast %add3A_71 : f32 to vector<1x1xf32>
    %swap3A = arith.constant 0 : index
    %swap3A_72 = arith.constant 0 : index
    %swap3A_73 = vector.load %arg3[%swap3A, %swap3A_72] : memref<1x1xf32, #tpu.memory_space<vmem>>, vector<1x1xf32>
    tpu.vector_store %arg3[%swap3A, %swap3A_72], %broadcast_in_dim3A {strides = array<i32>} : memref<1x1xf32, #tpu.memory_space<vmem>>, vector<1x1xf32>,
    return
  }
}

</mosaic_0001>

<sc_bundles>
// kernel: kernel.5.cloned.1.call-start
scs
__scs_entry_jumppad:
0x0: {  	(pc) =	sbr.rel $0x88, $3  }
0x1: {  	(tag) =	ssettag $0x0;
	lr =	simm.s32 $0x1  }
0x2: {  	[smem:$0x3F9D] =	sst lr;
	_ =	strace $0xD0000000  }
0x3: {  	_ = 	snop  }
0x4: {  	_ = 	snop  }
0x5: {  	_ = 	snop  }
0x6: {  	_ = 	snop  }
0x7: {  	_ = 	snop  }
__scs_overlays_trampoline_lowered:
0x8: {  	[smem:$0x3FAC] =	sst s0  }
0x9: {  	[smem:$0x3FAD] =	sst s1  }
0xa: {  	[smem:$0x3FAE] =	sst s2  }
0xb: {  	[smem:$0x3FAF] =	sst s3  }
0xc: {  	[smem:$0x3FB0] =	sst s4  }
0xd: {  	[smem:$0x3FB1] =	sst s5  }
0xe: {  	[smem:$0x3FB2] =	sst s6  }
0xf: {  	[smem:$0x3FB3] =	sst s7  }
0x10: {  	[smem:$0x3FB4] =	sst s8  }
0x11: {  	[smem:$0x3FB5] =	sst s9;
	s0 =	simm.s32 @!p0 $0x0  }
0x12: {  	s1 =	sld [smem:$0x3F9B];
	s0 =	simm.s32 @p0 $0x1  }
0x13: {  	[smem:$0x3FB6] =	sst s0;
	s0 =	simm.s32 @!p1 $0x0  }
0x14: {  	s2 =	sld [smem:$0x3F9A];
	s0 =	simm.s32 @p1 $0x1  }
0x15: {  	[smem:$0x3FB7] =	sst s0;
	s0 =	simm.s32 @!p2 $0x0  }
0x16: {  	s3 =	sld [smem:$0x3FDB];
	s0 =	simm.s32 @p2 $0x1  }
0x17: {  	s4 =	simm.s32 $0x1BF5;
	[smem:$0x3FB9] =	sst s0  }
0x18: {  	s0 =	sld [smem:$0x3F9C];
	_ =	swait.ge [sflag:s4], $0x0  }
0x19: {  	s7 =	sld [smem:$0x3F9D]  }
0x1a: {  	s8 =	sadd.s32 $0xFFFFE003, lr  }
0x1b: {  	s9 =	sadd.s32 $0xFFFFFEF7, lr;
	s5 =	simm.s32 $0xFFFFFFFF;
	p2 =	slt.u32 s8, $0xFFFFF086  }
0x1c: {  	p1 =	slt.u32 s9, $0xF7A;
	s5 =	simm.s32 @!p2 $0x0  }
0x1d: {  	s5 =	simm.s32 @p1 $0x1;
	p0 =	seq.s32 s7, s2  }
0x1e: {  	s7 =	smul.u32 @!p0 $0xF7A, s2;
	p2 =	seq.s32 @!p0 s5, $0x0  }
0x1f: {  	s9 =	smul.u32 $0xF7A, s1;
	s8 =	simm.s32 @!p0 $0x1BF5;
	p2 =	por !p2, p0  }
0x20: {  	[sflag:s8] =	ssyncset.s32 @!p0 $0xFFFFF086;
	s6 =	sadd.s32 @!p0 s3, s7;
	s7 =	simm.s32 @!p0 $0x108  }
0x21: {  	s3 =	sadd.s32 s3, s9;
	s6 =	sadd.s32 @!p0 $0x88, s6;
	s7 =	simm.s32 @p2 $0x1082  }
0x22: {  	[simem:s7], [sflag:s8] =	dma.local @!p0 [hbm:s6], $0xF7A  }
0x23: {  	s9 =	sor.u32 $0xD0000000, s2;
	s6 =	simm.s32 $0x108;
	_ =	swait.ge @!p0 [sflag:s8], $0x0  }
0x24: {  	s3 =	sadd.s32 $0x88, s3;
	s6 =	simm.s32 @!p1 $0x1082;
	[sflag:s4] =	ssyncset.s32 $0xFFFFF086  }
0x25: {  	[simem:s6], [sflag:s4] =	dma.local [hbm:s3], $0xF7A  }
0x26: {  	[smem:$0x3F9D] =	sst s1;
	(tag) =	ssettag s2;
	_ =	strace s9  }
0x27: {  	s1 =	sld [smem:$0x3FAD]  }
0x28: {  	s2 =	sld [smem:$0x3FAE]  }
0x29: {  	s4 =	sld [smem:$0x3FB0]  }
0x2a: {  	p0 =	seq.s32 s5, $0x0;
	s5 =	sld [smem:$0x3FB1]  }
0x2b: {  	s6 =	sld [smem:$0x3FB2]  }
0x2c: {  	s7 =	sld [smem:$0x3FB3]  }
0x2d: {  	s3 =	simm.s32 $0x108;
	s8 =	sld [smem:$0x3FB4]  }
0x2e: {  	s3 =	simm.s32 @!p0 $0x1082;
	s9 =	sld [smem:$0x3FB5]  }
0x2f: {  	lr =	sadd.s32 s0, s3;
	s0 =	sld [smem:$0x3FAC]  }
0x30: {  	s3 =	sld [smem:$0x3FAF]  }
0x31: {  	[smem:$0x3FB8] =	sst s10  }
0x32: {  	s10 =	sld [smem:$0x3FB6];
	_ =	sdelay $0x3  }
0x33: {  	p0 =	seq.s32 s10, $0x1;
	s10 =	sld [smem:$0x3FB8];
	_ =	sdelay $0x3  }
0x34: {  	[smem:$0x3FB8] =	sst s10  }
0x35: {  	s10 =	sld [smem:$0x3FB7];
	_ =	sdelay $0x3  }
0x36: {  	p1 =	seq.s32 s10, $0x1;
	s10 =	sld [smem:$0x3FB8];
	_ =	sdelay $0x3  }
0x37: {  	[smem:$0x3FB8] =	sst s10  }
0x38: {  	s10 =	sld [smem:$0x3FB9]  }
0x39: {  	_ = 	snop;
	(pc) =	sbr.ind lr, $3  }
0x3a: {  	_ = 	snop  }
0x3b: {  	_ = 	snop  }
0x3c: {  	p2 =	seq.s32 s10, $0x1;
	s10 =	sld [smem:$0x3FB8]  }
0x3d: {  	_ =	shalt  }
0x3e: {  	_ =	shalt  }
0x3f: {  	_ =	shalt  }
0x40: {  	_ =	shalt  }
0x41: {  	_ =	shalt  }
0x42: {  	_ =	shalt  }
0x43: {  	_ =	shalt  }
0x44: {  	_ =	shalt  }
0x45: {  	_ =	shalt  }
0x46: {  	_ =	shalt  }
0x47: {  	_ =	shalt  }
0x48: {  	_ =	shalt  }
0x49: {  	_ =	shalt  }
0x4a: {  	_ =	shalt  }
0x4b: {  	_ =	shalt  }
0x4c: {  	_ =	shalt  }
0x4d: {  	_ =	shalt  }
0x4e: {  	_ =	shalt  }
0x4f: {  	_ =	shalt  }
0x50: {  	_ =	shalt  }
0x51: {  	_ =	shalt  }
0x52: {  	_ =	shalt  }
0x53: {  	_ =	shalt  }
0x54: {  	_ =	shalt  }
0x55: {  	_ =	shalt  }
0x56: {  	_ =	shalt  }
0x57: {  	_ =	shalt  }
0x58: {  	_ =	shalt  }
0x59: {  	_ =	shalt  }
0x5a: {  	_ =	shalt  }
0x5b: {  	_ =	shalt  }
0x5c: {  	_ =	shalt  }
0x5d: {  	_ =	shalt  }
0x5e: {  	_ =	shalt  }
0x5f: {  	_ =	shalt  }
0x60: {  	_ =	shalt  }
0x61: {  	_ =	shalt  }
0x62: {  	_ =	shalt  }
0x63: {  	_ =	shalt  }
0x64: {  	_ =	shalt  }
0x65: {  	_ =	shalt  }
0x66: {  	_ =	shalt  }
0x67: {  	_ =	shalt  }
0x68: {  	_ =	shalt  }
0x69: {  	_ =	shalt  }
0x6a: {  	_ =	shalt  }
0x6b: {  	_ =	shalt  }
0x6c: {  	_ =	shalt  }
0x6d: {  	_ =	shalt  }
0x6e: {  	_ =	shalt  }
0x6f: {  	_ =	shalt  }
0x70: {  	_ =	shalt  }
0x71: {  	_ =	shalt  }
0x72: {  	_ =	shalt  }
0x73: {  	_ =	shalt  }
0x74: {  	_ =	shalt  }
0x75: {  	_ =	shalt  }
0x76: {  	_ =	shalt  }
0x77: {  	_ =	shalt  }
0x78: {  	_ =	shalt  }
0x79: {  	_ =	shalt  }
0x7a: {  	_ =	shalt  }
0x7b: {  	_ =	shalt  }
0x7c: {  	_ =	shalt  }
0x7d: {  	_ =	shalt  }
0x7e: {  	_ =	shalt  }
0x7f: {  	_ =	shalt  }
0x80: {  	_ =	shalt  }
0x81: {  	_ =	shalt  }
0x82: {  	_ =	shalt  }
0x83: {  	_ =	shalt  }
0x84: {  	_ =	shalt  }
0x85: {  	_ =	shalt  }
0x86: {  	_ =	shalt  }
0x87: {  	_ =	shalt  }
.Lfunc_end0:
.L_simem_size_0:
called_computation_lowered:
.L_overlay_start_0:
0x88: {  	s2 =	sld [smem:$0x3FD9]  }
0x89: {  	s3 =	sld [smem:$0x3FFE];
	_ =	sdelay $0x1  }
0x8a: {  	s1 =	srdreg.scid  }
0x8b: {  	s0 =	sand.u32 $0x1, s1  }
0x8c: {  	s16 =	sshll.u32 s0, $0xA;
	s2 =	sadd.s32 s3, s2  }
0x8d: {  	s2 =	sadd.s32 s2, s16  }
0x8e: {  	[smem:$0x3FC4] =	sst s2  }
0x8f: {  	_ = 	snop  }
0x90: {  	(tm) =	ssettm $0x1  }
0x91: {  	s17 =	sld [smem:$0x3FFB];
	_ =	sdelay $0x3  }
0x92: {  	_ =	strace s17  }
0x93: {  	s2 =	sld [smem:$0x3FFC];
	_ =	sdelay $0x3  }
0x94: {  	_ =	strace s2  }
0x95: {  	s2 =	sld [smem:$0x3FFD];
	_ =	sdelay $0x3  }
0x96: {  	_ =	strace s2  }
0x97: {  	_ =	strace $0x8FFFFFFF  }
0x98: {  	s18 =	sld [smem:$0x3FDB];
	_ =	sdelay $0x1  }
0x99: {  	s19 =	simm.s32 $_scs_section_size  }
0x9a: {  	s4 =	simm.s32 $_size__tile_overlayer_lowered;
	s5 =	simm.s32 $_tile_overlayer_lowered  }
0x9b: {  	s22 =	simm.s32 $0x1BFF;
	s21 =	sshll.u32 s5, $0x1;
	s2 =	sadd.s32 s19, s18  }
0x9c: {  	s6 =	simm.s32 $0x0;
	s20 =	sshll.u32 s4, $0x1;
	s4 =	sadd.s32 s21, s2  }
0x9d: {  	[timem:s6], [sflag:s22] =	dma.local [hbm:s4], s20  }
0x9e: {  	_ =	swait.ge [sflag:s22], s20  }
0x9f: {  	s3 =	ssub.s32 $0x0, s20;
	[sflag:s22] =	ssyncset.done $0x0  }
0xa0: {  	[sflag:s22] =	ssyncadd.s32 s3;
	_ =	sdelay $0x1  }
0xa1: {  	s23 =	simm.s32 $0x1B8B  }
0xa2: {  	_ =	swait.ge [sflag:s23], $0x1  }
0xa3: {  	[sflag:s23] =	ssyncset.done $0x0  }
0xa4: {  	s25 =	simm.s32 $0x1B8E;
	s24 =	sld [smem:$0x3FFE];
	[sflag:s23] =	ssyncadd.s32 $0xFFFFFFFF  }
0xa5: {  	s26 =	simm.s32 $execute0_lowered;
	[smem:$0x3FD2] =	sst s25  }
0xa6: {  	s4 =	sshll.u32 s26, $0x1;
	_ =	strace $0x80000046;
	[dreg:$0x1] =	wrdreg $0xFFFFFFFF  }
0xa7: {  	s28 =	simm.s32 $_size_execute0_lowered;
	s2 =	sadd.s32 s2, s4;
	[dreg:$0x0] =	wrdreg $0x0  }
0xa8: {  	s4 =	sshll.u32 s28, $0x1;
	[dreg:$0x2] =	wrdreg s2  }
0xa9: {  	[dreg:$0x3] =	wrdreg s4  }
0xaa: {  	[dreg:$0x4] =	wrdreg $0xC0  }
0xab: {  	_ =	task [dreg:s6], $0x5FFFF  }
0xac: {  	[dreg:$0x1] =	wrdreg $0xFFFFFFFF  }
0xad: {  	[dreg:$0x0] =	wrdreg $0x60  }
0xae: {  	[dreg:$0x2] =	wrdreg s24  }
0xaf: {  	[dreg:$0x3] =	wrdreg $0x9  }
0xb0: {  	_ =	task.clear_ibuf [dreg:s6], $0x4FFFF;
	_ =	strace $0x90000046  }
0xb1: {  	s29 =	simm.s32 $0x9;
	_ =	strace $0x80000048  }
0xb2: {  	_ =	swait.ge [sflag:s29], $0x1  }
0xb3: {  	[sflag:s29] =	ssyncadd.s32 $0xFFFFFFFF  }
0xb4: {  	_ =	strace $0x90000048  }
0xb5: {  	_ =	sfence  }
0xb6: {  	s30 =	sld [smem:$0x0];
	_ =	sdelay $0x2  }
0xb7: {  	s31 =	sshll.u32 s1, $0xD;
	s1 =	sshrl.u32 s1, $0x2  }
0xb8: {  	s3 =	sand.u32 $0x4000, s31;
	s1 =	sadd.s32 s1, s30  }
0xb9: {  	s0 =	sor.u32 s3, s0;
	s1 =	sshll.u32 s1, $0x11  }
0xba: {  	s0 =	sor.u32 s1, s0  }
0xbb: {  	s0 =	sadd.s32 $0x8F2B, s0  }
0xbc: {  	[sflag:s0] =	ssyncadd.remote.s32 $0x1  }
0xbd: {  	_ =	sfence.sel $0xFFFF  }
0xbe: {  	[dreg:$0x0] =	wrdreg $0xFFFFFFFF;
	(pc) =	sbr.abs _section_cstart, $3  }
0xbf: {  	[dreg:$0x1] =	wrdreg $0xFFFFFFFF  }
0xc0: {  	_ =	task.clear_ibuf [dreg:s6], $0x2FFFF;
	_ =	strace $0x9FFFFFFF  }
0xc1: {  	(tm) =	ssettm $0x7FFFFFFF  }
tec
execute0_lowered:
.L_overlay_start_1:
0x0: {  	(tag) =	ssettag $0x1  }
0x1: {  	s0 =	srdreg.scid;
	s5 =	rddreg [dreg:$0x0];
	s2 =	simm.s32 $0x0  }
0x2: {  	s12 =	simm.s32 $0x1800;
	s13 =	simm.s32 $0x2;
	s4 =	sand.u32 $0x1, s0  }
0x3: {  	s14 =	simm.s32 $0x80;
	s0 =	stileid.u32;
	s1 =	sshll.u32 s4, $0x4  }
0x4: {  	s15 =	simm.s32 $0x400;
	s16 =	simm.s32 $0x3;
	s6 =	sor.u32 s0, s1  }
0x5: {  	[smem:$0x7FF] =	sst s2;
	s3 =	sshrl.u32 s6, $0x3;
	s9 =	smul.u32 $0x4C026, s6  }
0x6: {  	s30 =	sshll.u32 s0, $0x7;
	s31 =	ssub.s32 $0x2, s4;
	s7 =	smul.u32 $0xC0000, s3  }
0x7: {  	s4 =	sadd.s32 $0xE00, s5;
	s8 =	sand.u32 $0x380, s30;
	s3 =	smul.u32 $0x72, s6  }
0x8: {  	s1 =	rddreg [dreg:$0x1];
	s6 =	smul.u32 $0xAB00, s6;
	s7 =	sor.u32 s8, s7  }
0x9: {  	_ =	strace $0x80000047;
	s10 =	sshrl.u32 s31, $0x1;
	s7 =	sshrl.u32 s7, $0x3  }
0xa: {  	s10 =	ssub.s32 s31, s10;
	s6 =	sadd.s32 s4, s6;
	s11 =	sadd.s32 s7, s5  }
0xb: {  	s5 =	sshrl.u32 s9, $0x11;
	s7 =	sadd.s32 $0x2, s3;
	s9 =	smax.u32 s10, $0x1  }
0xc: {  	v0 =	vimm.s32 $0x0;
	v1 =	vimm.s32 $0x1;
	s10 =	simm.s32 $0xC00;
	s8 =	sadd.s32 $0x156E00, s11;
	s11 =	simm.s32 $0x1  }
.LBB2_1:
0xd: {  	s17 =	simm.s32 $0x0;
	s18 =	simm.s32 $0x200  }
.LBB2_2:
0xe: {  	p0 =	sne.s32 s18, $0x5FE00;
	[tilespmem:s17+$0x1870] =	vst v0  }
0xf: {  	[tilespmem:s17+$0x1800] =	vst v0  }
0x10: {  	[tilespmem:s17+$0x1810] =	vst v0  }
.Ltmp0:
0x11: {  	[tilespmem:s17+$0x1820] =	vst v0;
	(pc) =	sbr.rel @p0 .LBB2_2-.Ltmp0, $4  }
0x12: {  	[tilespmem:s17+$0x1830] =	vst v0  }
0x13: {  	[tilespmem:s17+$0x1840] =	vst v0  }
0x14: {  	[tilespmem:s17+$0x1850] =	vst v0  }
0x15: {  	[tilespmem:s17+$0x1860] =	vst v0;
	s17 =	sshra.s32 s18, $0x2;
	s18 =	sadd.s32 $0x200, s18  }
0x16: {  	[tilespmem:s17+$0x1870] =	vst v0  }
0x17: {  	[tilespmem:s17+$0x1800] =	vst v0  }
0x18: {  	[tilespmem:s17+$0x1810] =	vst v0  }
0x19: {  	[tilespmem:s17+$0x1820] =	vst v0  }
0x1a: {  	[tilespmem:s17+$0x1830] =	vst v0  }
0x1b: {  	[tilespmem:s17+$0x1840] =	vst v0  }
0x1c: {  	[tilespmem:s17+$0x1850] =	vst v0  }
0x1d: {  	[tilespmem:s17+$0x1860] =	vst v0;
	s17 =	simm.s32 $0x0;
	s18 =	simm.s32 $0x0  }
0x1e: {  	[tilespmem:s17], [sflag:$0x1] =	stream.linear.gather [hbm4b:s6+s17], $0xC00, $0x38;
	[tilespmem:$0x19800] =	vst v63  }
.LBB2_4:
0x1f: {  	s20 =	sshll.u32 s18, $0x1  }
0x20: {  	s21 =	sadd.s32 s3, s20  }
0x21: {  	s19 =	sadd.s32 $0x1, s21  }
0x22: {  	s22 =	smul.u32 $0x180, s19;
	_ =	sdelay $0x1  }
0x23: {  	s22 =	sadd.s32 s4, s22  }
0x24: {  	[tilespmem:s10], [sflag:$0x2] =	stream.linear.gather [hbm4b:s22+s17], $0xC00, $0x38;
	[tilespmem:$0x19800] =	vst v63  }
0x25: {  	_ =	swait.ge [sflag:s11], $0xC00  }
0x26: {  	[sflag:s11] =	ssyncset.done $0x0  }
0x27: {  	s31 =	simm.s32 $0x0;
	s21 =	smulhi.u32 $0x2AAAAAAB, s21;
	[sflag:s11] =	ssyncadd.s32 $0xFFFFF400  }
0x28: {  	v3 =	vld [tilespmem:s31+$0x10]  }
0x29: {  	s21 =	sshrl.u32 s21, $0x3;
	v5 =	vld [tilespmem:s31+$0x0]  }
0x2a: {  	s21 =	ssub.s32 s21, s5  }
0x2b: {  	s21 =	smul.u32 $0x6000, s21;
	v6 =	vld [tilespmem:s31+$0x30]  }
0x2c: {  	v7 =	vld [tilespmem:s31+$0x20]  }
0x2d: {  	v2 =	vmov s21;
	vm1 =	vlt.s32 v3, $0x0;
	v4 =	vshrl.u32 v3, $0x10  }
0x2e: {  	v8 =	vand.u32 $0xFFFF, v3;
	v3 =	vshrl.u32 v5, $0x10;
	vm2 =	vlt.s32 v5, $0x0  }
0x2f: {  	v9 =	vand.u32 $0x1F80, v4;
	v10 =	vand.u32 $0x7F, v4;
	v4 =	vand.u32 $0x1F80, v3  }
0x30: {  	v59 =	vld [tilespmem:s31+$0x50];
	vm0 =	vlt.s32 v6, $0x0;
	v3 =	vand.u32 $0x7F, v3;
	v4 =	vor.u32 v2, v4  }
0x31: {  	v14 =	vshrl.u32 v7, $0x10;
	v12 =	vor.u32 v3, v4;
	v4 =	vadd.s32 v3, v4  }
0x32: {  	v13 =	vld [tilespmem:s31+$0x40];
	v16 =	vand.u32 $0xFFFF, v7;
	v5 =	vand.u32 $0xFFFF, v5;
	v15 =	vadd.s32 $0x2000, v4  }
0x33: {  	v19 =	vshrl.u32 v6, $0x10;
	v9 =	vor.u32 v2, v9;
	v18 =	vadd.s32 $0x4000, v4  }
0x34: {  	vm3 =	vlt.s32 v7, $0x0;
	v11 =	vor.u32 v10, v9;
	v3 =	vld [tilespmem:s31+$0x70];
	v9 =	vadd.s32 v10, v9  }
0x35: {  	v60 =	vshrl.u32 v59, $0x10;
	v17 =	vand.u32 $0x1F80, v14;
	v4 =	vld [tilespmem:s31+$0x60];
	v20 =	vadd.s32 $0x2000, v9  }
0x36: {  	v14 =	vand.u32 $0x7F, v14;
	v10 =	vor.u32 v2, v17;
	v7 =	vadd.s32 $0x4000, v9;
	[tilespmem:v12+s12+$0x0] =	vst.idx.add.s32.msk $0xffff, v5  }
0x37: {  	vm4 =	vlt.s32 v13, $0x0;
	v21 =	vadd.s32 v14, v10;
	v10 =	vor.u32 v14, v10;
	[tilespmem:v15+s12+$0x0] =	vst.idx.add.s32.msk vm2, v1  }
0x38: {  	v6 =	vand.u32 $0xFFFF, v6;
	v12 =	vand.u32 $0x1F80, v19;
	[tilespmem:v18+s12+$0x0] =	vst.idx.add.s32.msk vm2, v5;
	v5 =	vadd.s32 $0x2000, v21  }
0x39: {  	v12 =	vor.u32 v2, v12;
	v15 =	vadd.s32 $0x4000, v21;
	[tilespmem:v11+s12+$0x0] =	vst.idx.add.s32.msk $0xffff, v8;
	v11 =	vand.u32 $0x7F, v19  }
0x3a: {  	v9 =	vshrl.u32 v13, $0x10;
	[tilespmem:v20+s12+$0x0] =	vst.idx.add.s32.msk vm1, v1;
	v19 =	vor.u32 v11, v12;
	v11 =	vadd.s32 v11, v12  }
0x3b: {  	v14 =	vand.u32 $0x7F, v9;
	v9 =	vand.u32 $0x1F80, v9;
	[tilespmem:v7+s12+$0x0] =	vst.idx.add.s32.msk vm1, v8;
	v7 =	vadd.s32 $0x2000, v11  }
0x3c: {  	v13 =	vand.u32 $0xFFFF, v13;
	v9 =	vor.u32 v2, v9;
	v8 =	vadd.s32 $0x4000, v11;
	[tilespmem:v10+s12+$0x0] =	vst.idx.add.s32.msk $0xffff, v16  }
0x3d: {  	v12 =	vand.u32 $0x1F80, v60;
	v10 =	vadd.s32 v14, v9;
	[tilespmem:v5+s12+$0x0] =	vst.idx.add.s32.msk vm3, v1;
	v5 =	vor.u32 v14, v9  }
0x3e: {  	v63 =	vshrl.u32 v3, $0x10;
	v11 =	vor.u32 v2, v12;
	v14 =	vadd.s32 $0x2000, v10;
	[tilespmem:v15+s12+$0x0] =	vst.idx.add.s32.msk vm3, v16  }
0x3f: {  	v12 =	vand.u32 $0x7F, v60;
	vm1 =	vlt.s32 v59, $0x0;
	v62 =	vadd.s32 $0x4000, v10;
	[tilespmem:v19+s12+$0x0] =	vst.idx.add.s32.msk $0xffff, v6  }
0x40: {  	v9 =	vshrl.u32 v4, $0x10;
	v15 =	vadd.s32 v12, v11;
	v12 =	vor.u32 v12, v11;
	[tilespmem:v7+s12+$0x0] =	vst.idx.add.s32.msk vm0, v1  }
0x41: {  	vm2 =	vlt.s32 v4, $0x0;
	v61 =	vand.u32 $0x1F80, v9;
	[tilespmem:v8+s12+$0x0] =	vst.idx.add.s32.msk vm0, v6;
	v6 =	vadd.s32 $0x2000, v15  }
0x42: {  	v9 =	vand.u32 $0x7F, v9;
	v7 =	vor.u32 v2, v61;
	[tilespmem:v5+s12+$0x0] =	vst.idx.add.s32.msk $0xffff, v13;
	v5 =	vadd.s32 $0x4000, v15  }
0x43: {  	v11 =	vand.u32 $0x1F80, v63;
	v8 =	vadd.s32 v9, v7;
	v7 =	vor.u32 v9, v7;
	[tilespmem:v14+s12+$0x0] =	vst.idx.add.s32.msk vm4, v1  }
0x44: {  	v10 =	vand.u32 $0xFFFF, v59;
	v11 =	vor.u32 v2, v11;
	v9 =	vadd.s32 $0x2000, v8;
	[tilespmem:v62+s12+$0x0] =	vst.idx.add.s32.msk vm4, v13  }
0x45: {  	s21 =	simm.s32 $0x200;
	vm0 =	vlt.s32 v3, $0x0;
	v8 =	vadd.s32 $0x4000, v8;
	[tilespmem:v12+s12+$0x0] =	vst.idx.add.s32.msk $0xffff, v10;
	v12 =	vand.u32 $0x7F, v63  }
.LBB2_5:
0x46: {  	p0 =	sne.s32 s21, $0x2E00;
	[tilespmem:v6+s12+$0x0] =	vst.idx.add.s32.msk vm1, v1;
	v6 =	vor.u32 v12, v11;
	v11 =	vadd.s32 v12, v11;
	s22 =	smov.u32 s21;
	s21 =	sadd.s32 $0x200, s21  }
0x47: {  	v4 =	vand.u32 $0xFFFF, v4;
	s22 =	sshra.s32 s22, $0x2;
	[tilespmem:v5+s12+$0x0] =	vst.idx.add.s32.msk vm1, v10;
	v5 =	vadd.s32 $0x2000, v11  }
0x48: {  	[tilespmem:v7+s12+$0x0] =	vst.idx.add.s32.msk $0xffff, v4;
	v7 =	vadd.s32 $0x4000, v11  }
0x49: {  	[tilespmem:v9+s12+$0x0] =	vst.idx.add.s32.msk vm2, v1  }
0x4a: {  	v3 =	vand.u32 $0xFFFF, v3;
	[tilespmem:v8+s12+$0x0] =	vst.idx.add.s32.msk vm2, v4  }
0x4b: {  	[tilespmem:v6+s12+$0x0] =	vst.idx.add.s32.msk $0xffff, v3  }
0x4c: {  	[tilespmem:v5+s12+$0x0] =	vst.idx.add.s32.msk vm0, v1  }
0x4d: {  	[tilespmem:v7+s12+$0x0] =	vst.idx.add.s32.msk vm0, v3  }
0x4e: {  	v3 =	vld [tilespmem:s22+$0x10]  }
0x4f: {  	v5 =	vld [tilespmem:s22+$0x0];
	_ =	sdelay $0x1  }
0x50: {  	v6 =	vld [tilespmem:s22+$0x30]  }
0x51: {  	v7 =	vld [tilespmem:s22+$0x20]  }
0x52: {  	vm1 =	vlt.s32 v3, $0x0;
	v8 =	vshrl.u32 v3, $0x10;
	v9 =	vand.u32 $0xFFFF, v3;
	v3 =	vld [tilespmem:s22+$0x70]  }
0x53: {  	v10 =	vshrl.u32 v5, $0x10;
	v11 =	vand.u32 $0x1F80, v8;
	v4 =	vld [tilespmem:s22+$0x60];
	v8 =	vand.u32 $0x7F, v8  }
0x54: {  	vm3 =	vlt.s32 v5, $0x0;
	v12 =	vand.u32 $0x1F80, v10;
	v11 =	vor.u32 v2, v11;
	v13 =	vld [tilespmem:s22+$0x50]  }
0x55: {  	v10 =	vand.u32 $0x7F, v10;
	v12 =	vor.u32 v2, v12;
	v14 =	vld [tilespmem:s22+$0x40];
	v15 =	vor.u32 v8, v11  }
0x56: {  	vm0 =	vlt.s32 v6, $0x0;
	v16 =	vor.u32 v10, v12;
	v10 =	vadd.s32 v10, v12  }
0x57: {  	v12 =	vshrl.u32 v7, $0x10;
	v17 =	vand.u32 $0xFFFF, v7;
	v18 =	vadd.s32 $0x2000, v10  }
0x58: {  	v8 =	vadd.s32 v8, v11;
	v19 =	vand.u32 $0x1F80, v12;
	v10 =	vadd.s32 $0x4000, v10  }
0x59: {  	v5 =	vand.u32 $0xFFFF, v5;
	v12 =	vand.u32 $0x7F, v12;
	v11 =	vor.u32 v2, v19  }
0x5a: {  	v20 =	vadd.s32 $0x2000, v8;
	v19 =	vshrl.u32 v6, $0x10;
	v21 =	vadd.s32 v12, v11  }
0x5b: {  	vm2 =	vlt.s32 v7, $0x0;
	v8 =	vadd.s32 $0x4000, v8;
	v7 =	vshrl.u32 v14, $0x10;
	[tilespmem:v16+s12+$0x0] =	vst.idx.add.s32.msk $0xffff, v5  }
0x5c: {  	v11 =	vor.u32 v12, v11;
	v16 =	vand.u32 $0x1F80, v19;
	v12 =	vand.u32 $0x7F, v7;
	[tilespmem:v18+s12+$0x0] =	vst.idx.add.s32.msk vm3, v1  }
0x5d: {  	v16 =	vor.u32 v2, v16;
	[tilespmem:v10+s12+$0x0] =	vst.idx.add.s32.msk vm3, v5;
	v5 =	vadd.s32 $0x2000, v21;
	v10 =	vadd.s32 $0x4000, v21  }
0x5e: {  	v7 =	vand.u32 $0x1F80, v7;
	v18 =	vshrl.u32 v13, $0x10;
	[tilespmem:v15+s12+$0x0] =	vst.idx.add.s32.msk $0xffff, v9;
	v15 =	vand.u32 $0x7F, v19  }
0x5f: {  	v19 =	vand.u32 $0x1F80, v18;
	[tilespmem:v20+s12+$0x0] =	vst.idx.add.s32.msk vm1, v1;
	v20 =	vor.u32 v15, v16;
	v15 =	vadd.s32 v15, v16  }
0x60: {  	v7 =	vor.u32 v2, v7;
	[tilespmem:v8+s12+$0x0] =	vst.idx.add.s32.msk vm1, v9;
	v8 =	vadd.s32 $0x2000, v15;
	v9 =	vadd.s32 $0x4000, v15  }
0x61: {  	v16 =	vand.u32 $0x7F, v18;
	v15 =	vor.u32 v2, v19;
	[tilespmem:v11+s12+$0x0] =	vst.idx.add.s32.msk $0xffff, v17;
	v11 =	vadd.s32 v12, v7  }
0x62: {  	vm3 =	vlt.s32 v14, $0x0;
	[tilespmem:v5+s12+$0x0] =	vst.idx.add.s32.msk vm2, v1;
	v5 =	vor.u32 v12, v7;
	v7 =	vadd.s32 v16, v15  }
0x63: {  	v6 =	vand.u32 $0xFFFF, v6;
	v12 =	vshrl.u32 v4, $0x10;
	[tilespmem:v10+s12+$0x0] =	vst.idx.add.s32.msk vm2, v17;
	v10 =	vadd.s32 $0x2000, v11  }
0x64: {  	v18 =	vadd.s32 $0x4000, v11;
	v17 =	vand.u32 $0x1F80, v12;
	v11 =	vand.u32 $0x7F, v12;
	[tilespmem:v20+s12+$0x0] =	vst.idx.add.s32.msk $0xffff, v6  }
0x65: {  	vm1 =	vlt.s32 v13, $0x0;
	v12 =	vor.u32 v2, v17;
	[tilespmem:v8+s12+$0x0] =	vst.idx.add.s32.msk vm0, v1;
	v8 =	vor.u32 v16, v15  }
.Ltmp1:
0x66: {  	v14 =	vand.u32 $0xFFFF, v14;
	v15 =	vadd.s32 v11, v12;
	[tilespmem:v9+s12+$0x0] =	vst.idx.add.s32.msk vm0, v6;
	v6 =	vadd.s32 $0x2000, v7;
	(pc) =	sbr.rel @p0 .LBB2_5-.Ltmp1, $4  }
0x67: {  	v16 =	vshrl.u32 v3, $0x10;
	vm0 =	vlt.s32 v3, $0x0;
	[tilespmem:v5+s12+$0x0] =	vst.idx.add.s32.msk $0xffff, v14;
	v5 =	vadd.s32 $0x4000, v7  }
0x68: {  	vm2 =	vlt.s32 v4, $0x0;
	v9 =	vand.u32 $0x1F80, v16;
	v7 =	vor.u32 v11, v12;
	[tilespmem:v10+s12+$0x0] =	vst.idx.add.s32.msk vm3, v1  }
0x69: {  	v11 =	vor.u32 v2, v9;
	v9 =	vadd.s32 $0x2000, v15;
	v10 =	vand.u32 $0xFFFF, v13;
	[tilespmem:v18+s12+$0x0] =	vst.idx.add.s32.msk vm3, v14  }
0x6a: {  	v12 =	vand.u32 $0x7F, v16;
	[tilespmem:v8+s12+$0x0] =	vst.idx.add.s32.msk $0xffff, v10;
	v8 =	vadd.s32 $0x4000, v15  }
0x6b: {  	_ =	sdelay $0x4  }
0x6c: {  	[tilespmem:v6+s12+$0x0] =	vst.idx.add.s32.msk vm1, v1;
	v2 =	vor.u32 v12, v11;
	v6 =	vadd.s32 v12, v11  }
0x6d: {  	v4 =	vand.u32 $0xFFFF, v4;
	[tilespmem:v5+s12+$0x0] =	vst.idx.add.s32.msk vm1, v10;
	v5 =	vadd.s32 $0x2000, v6  }
0x6e: {  	v6 =	vadd.s32 $0x4000, v6;
	[tilespmem:v7+s12+$0x0] =	vst.idx.add.s32.msk $0xffff, v4  }
0x6f: {  	p0 =	seq.s32 s18, $0x38;
	[tilespmem:v9+s12+$0x0] =	vst.idx.add.s32.msk vm2, v1  }
0x70: {  	v3 =	vand.u32 $0xFFFF, v3;
	s20 =	sadd.s32 @!p0 s20, s7;
	[tilespmem:v8+s12+$0x0] =	vst.idx.add.s32.msk vm2, v4  }
0x71: {  	s20 =	smul.u32 @!p0 $0x180, s20;
	[tilespmem:v2+s12+$0x0] =	vst.idx.add.s32.msk $0xffff, v3  }
0x72: {  	[tilespmem:v5+s12+$0x0] =	vst.idx.add.s32.msk vm0, v1  }
0x73: {  	s21 =	simm.s32 @!p0 $0x0;
	s20 =	sadd.s32 @!p0 s4, s20;
	[tilespmem:v6+s12+$0x0] =	vst.idx.add.s32.msk vm0, v3  }
0x74: {  	[tilespmem:s21], [sflag:$0x1] =	stream.linear.gather @!p0 [hbm4b:s20+s21], $0xC00, $0x38;
	[tilespmem:$0x19800] =	vst v63  }
0x75: {  	_ =	swait.ge [sflag:s13], $0xC00  }
0x76: {  	[sflag:s13] =	ssyncset.done $0x0  }
0x77: {  	s19 =	smulhi.u32 $0xAAAAAAAB, s19;
	s31 =	simm.s32 $0x0;
	[sflag:s13] =	ssyncadd.s32 $0xFFFFF400  }
0x78: {  	v3 =	vld [tilespmem:s31+$0xC10]  }
0x79: {  	s19 =	sshrl.u32 s19, $0x5;
	v5 =	vld [tilespmem:s31+$0xC00]  }
0x7a: {  	s19 =	ssub.s32 s19, s5  }
0x7b: {  	s19 =	smul.u32 $0x6000, s19;
	v6 =	vld [tilespmem:s31+$0xC30]  }
0x7c: {  	v7 =	vld [tilespmem:s31+$0xC20]  }
0x7d: {  	v2 =	vmov s19;
	vm1 =	vlt.s32 v3, $0x0;
	v4 =	vshrl.u32 v3, $0x10  }
0x7e: {  	v8 =	vand.u32 $0xFFFF, v3;
	v3 =	vshrl.u32 v5, $0x10;
	vm2 =	vlt.s32 v5, $0x0  }
0x7f: {  	v9 =	vand.u32 $0x1F80, v4;
	v10 =	vand.u32 $0x7F, v4;
	v4 =	vand.u32 $0x1F80, v3  }
0x80: {  	v59 =	vld [tilespmem:s31+$0xC50];
	vm0 =	vlt.s32 v6, $0x0;
	v3 =	vand.u32 $0x7F, v3;
	v4 =	vor.u32 v2, v4  }
0x81: {  	v14 =	vshrl.u32 v7, $0x10;
	v12 =	vor.u32 v3, v4;
	v4 =	vadd.s32 v3, v4  }
0x82: {  	v13 =	vld [tilespmem:s31+$0xC40];
	v16 =	vand.u32 $0xFFFF, v7;
	v5 =	vand.u32 $0xFFFF, v5;
	v15 =	vadd.s32 $0x2000, v4  }
0x83: {  	v19 =	vshrl.u32 v6, $0x10;
	v9 =	vor.u32 v2, v9;
	v18 =	vadd.s32 $0x4000, v4  }
0x84: {  	vm3 =	vlt.s32 v7, $0x0;
	v11 =	vor.u32 v10, v9;
	v3 =	vld [tilespmem:s31+$0xC70];
	v9 =	vadd.s32 v10, v9  }
0x85: {  	v60 =	vshrl.u32 v59, $0x10;
	v17 =	vand.u32 $0x1F80, v14;
	v4 =	vld [tilespmem:s31+$0xC60];
	v20 =	vadd.s32 $0x2000, v9  }
0x86: {  	v14 =	vand.u32 $0x7F, v14;
	v10 =	vor.u32 v2, v17;
	v7 =	vadd.s32 $0x4000, v9;
	[tilespmem:v12+s12+$0x0] =	vst.idx.add.s32.msk $0xffff, v5  }
0x87: {  	vm4 =	vlt.s32 v13, $0x0;
	v21 =	vadd.s32 v14, v10;
	v10 =	vor.u32 v14, v10;
	[tilespmem:v15+s12+$0x0] =	vst.idx.add.s32.msk vm2, v1  }
0x88: {  	v6 =	vand.u32 $0xFFFF, v6;
	v12 =	vand.u32 $0x1F80, v19;
	[tilespmem:v18+s12+$0x0] =	vst.idx.add.s32.msk vm2, v5;
	v5 =	vadd.s32 $0x2000, v21  }
0x89: {  	v12 =	vor.u32 v2, v12;
	v15 =	vadd.s32 $0x4000, v21;
	[tilespmem:v11+s12+$0x0] =	vst.idx.add.s32.msk $0xffff, v8;
	v11 =	vand.u32 $0x7F, v19  }
0x8a: {  	v9 =	vshrl.u32 v13, $0x10;
	[tilespmem:v20+s12+$0x0] =	vst.idx.add.s32.msk vm1, v1;
	v19 =	vor.u32 v11, v12;
	v11 =	vadd.s32 v11, v12  }
0x8b: {  	v14 =	vand.u32 $0x7F, v9;
	v9 =	vand.u32 $0x1F80, v9;
	[tilespmem:v7+s12+$0x0] =	vst.idx.add.s32.msk vm1, v8;
	v7 =	vadd.s32 $0x2000, v11  }
0x8c: {  	v13 =	vand.u32 $0xFFFF, v13;
	v9 =	vor.u32 v2, v9;
	v8 =	vadd.s32 $0x4000, v11;
	[tilespmem:v10+s12+$0x0] =	vst.idx.add.s32.msk $0xffff, v16  }
0x8d: {  	v12 =	vand.u32 $0x1F80, v60;
	v10 =	vadd.s32 v14, v9;
	[tilespmem:v5+s12+$0x0] =	vst.idx.add.s32.msk vm3, v1;
	v5 =	vor.u32 v14, v9  }
0x8e: {  	v63 =	vshrl.u32 v3, $0x10;
	v11 =	vor.u32 v2, v12;
	v14 =	vadd.s32 $0x2000, v10;
	[tilespmem:v15+s12+$0x0] =	vst.idx.add.s32.msk vm3, v16  }
0x8f: {  	v12 =	vand.u32 $0x7F, v60;
	vm1 =	vlt.s32 v59, $0x0;
	v62 =	vadd.s32 $0x4000, v10;
	[tilespmem:v19+s12+$0x0] =	vst.idx.add.s32.msk $0xffff, v6  }
0x90: {  	v9 =	vshrl.u32 v4, $0x10;
	v15 =	vadd.s32 v12, v11;
	v12 =	vor.u32 v12, v11;
	[tilespmem:v7+s12+$0x0] =	vst.idx.add.s32.msk vm0, v1  }
0x91: {  	vm2 =	vlt.s32 v4, $0x0;
	v61 =	vand.u32 $0x1F80, v9;
	[tilespmem:v8+s12+$0x0] =	vst.idx.add.s32.msk vm0, v6;
	v6 =	vadd.s32 $0x2000, v15  }
0x92: {  	v9 =	vand.u32 $0x7F, v9;
	v7 =	vor.u32 v2, v61;
	[tilespmem:v5+s12+$0x0] =	vst.idx.add.s32.msk $0xffff, v13;
	v5 =	vadd.s32 $0x4000, v15  }
0x93: {  	v16 =	vadd.s32 v9, v7;
	v8 =	vand.u32 $0x1F80, v63;
	v7 =	vor.u32 v9, v7;
	[tilespmem:v14+s12+$0x0] =	vst.idx.add.s32.msk vm4, v1  }
0x94: {  	v10 =	vand.u32 $0xFFFF, v59;
	v11 =	vor.u32 v2, v8;
	v8 =	vadd.s32 $0x2000, v16;
	[tilespmem:v62+s12+$0x0] =	vst.idx.add.s32.msk vm4, v13  }
0x95: {  	s19 =	simm.s32 $0x200;
	vm0 =	vlt.s32 v3, $0x0;
	v9 =	vadd.s32 $0x4000, v16;
	[tilespmem:v12+s12+$0x0] =	vst.idx.add.s32.msk $0xffff, v10;
	v12 =	vand.u32 $0x7F, v63  }
.LBB2_7:
0x96: {  	p0 =	sne.s32 s19, $0x2E00;
	[tilespmem:v6+s12+$0x0] =	vst.idx.add.s32.msk vm1, v1;
	v6 =	vor.u32 v12, v11;
	v11 =	vadd.s32 v12, v11;
	s20 =	smov.u32 s19;
	s19 =	sadd.s32 $0x200, s19  }
0x97: {  	v4 =	vand.u32 $0xFFFF, v4;
	s20 =	sshra.s32 s20, $0x2;
	[tilespmem:v5+s12+$0x0] =	vst.idx.add.s32.msk vm1, v10;
	v5 =	vadd.s32 $0x2000, v11  }
0x98: {  	[tilespmem:v7+s12+$0x0] =	vst.idx.add.s32.msk $0xffff, v4;
	v7 =	vadd.s32 $0x4000, v11  }
0x99: {  	[tilespmem:v8+s12+$0x0] =	vst.idx.add.s32.msk vm2, v1  }
0x9a: {  	v3 =	vand.u32 $0xFFFF, v3;
	[tilespmem:v9+s12+$0x0] =	vst.idx.add.s32.msk vm2, v4  }
0x9b: {  	[tilespmem:v6+s12+$0x0] =	vst.idx.add.s32.msk $0xffff, v3  }
0x9c: {  	[tilespmem:v5+s12+$0x0] =	vst.idx.add.s32.msk vm0, v1  }
0x9d: {  	[tilespmem:v7+s12+$0x0] =	vst.idx.add.s32.msk vm0, v3  }
0x9e: {  	v3 =	vld [tilespmem:s20+$0xC10]  }
0x9f: {  	v5 =	vld [tilespmem:s20+$0xC00];
	_ =	sdelay $0x1  }
0xa0: {  	v6 =	vld [tilespmem:s20+$0xC30]  }
0xa1: {  	v7 =	vld [tilespmem:s20+$0xC20]  }
0xa2: {  	vm1 =	vlt.s32 v3, $0x0;
	v8 =	vshrl.u32 v3, $0x10;
	v9 =	vand.u32 $0xFFFF, v3;
	v3 =	vld [tilespmem:s20+$0xC70]  }
0xa3: {  	v10 =	vshrl.u32 v5, $0x10;
	v11 =	vand.u32 $0x1F80, v8;
	v4 =	vld [tilespmem:s20+$0xC60];
	v8 =	vand.u32 $0x7F, v8  }
0xa4: {  	vm3 =	vlt.s32 v5, $0x0;
	v12 =	vand.u32 $0x1F80, v10;
	v11 =	vor.u32 v2, v11;
	v13 =	vld [tilespmem:s20+$0xC50]  }
0xa5: {  	v10 =	vand.u32 $0x7F, v10;
	v12 =	vor.u32 v2, v12;
	v14 =	vld [tilespmem:s20+$0xC40];
	v15 =	vor.u32 v8, v11  }
0xa6: {  	vm0 =	vlt.s32 v6, $0x0;
	v16 =	vor.u32 v10, v12;
	v10 =	vadd.s32 v10, v12  }
0xa7: {  	v12 =	vshrl.u32 v7, $0x10;
	v17 =	vand.u32 $0xFFFF, v7;
	v18 =	vadd.s32 $0x2000, v10  }
0xa8: {  	v8 =	vadd.s32 v8, v11;
	v19 =	vand.u32 $0x1F80, v12;
	v10 =	vadd.s32 $0x4000, v10  }
0xa9: {  	v5 =	vand.u32 $0xFFFF, v5;
	v12 =	vand.u32 $0x7F, v12;
	v11 =	vor.u32 v2, v19  }
0xaa: {  	v20 =	vadd.s32 $0x2000, v8;
	v19 =	vshrl.u32 v6, $0x10;
	v21 =	vadd.s32 v12, v11  }
0xab: {  	vm2 =	vlt.s32 v7, $0x0;
	v8 =	vadd.s32 $0x4000, v8;
	v7 =	vshrl.u32 v14, $0x10;
	[tilespmem:v16+s12+$0x0] =	vst.idx.add.s32.msk $0xffff, v5  }
0xac: {  	v11 =	vor.u32 v12, v11;
	v16 =	vand.u32 $0x1F80, v19;
	v12 =	vand.u32 $0x7F, v7;
	[tilespmem:v18+s12+$0x0] =	vst.idx.add.s32.msk vm3, v1  }
0xad: {  	v16 =	vor.u32 v2, v16;
	[tilespmem:v10+s12+$0x0] =	vst.idx.add.s32.msk vm3, v5;
	v5 =	vadd.s32 $0x2000, v21;
	v10 =	vadd.s32 $0x4000, v21  }
0xae: {  	v7 =	vand.u32 $0x1F80, v7;
	v18 =	vshrl.u32 v13, $0x10;
	[tilespmem:v15+s12+$0x0] =	vst.idx.add.s32.msk $0xffff, v9;
	v15 =	vand.u32 $0x7F, v19  }
0xaf: {  	v19 =	vand.u32 $0x1F80, v18;
	[tilespmem:v20+s12+$0x0] =	vst.idx.add.s32.msk vm1, v1;
	v20 =	vor.u32 v15, v16;
	v15 =	vadd.s32 v15, v16  }
0xb0: {  	v7 =	vor.u32 v2, v7;
	[tilespmem:v8+s12+$0x0] =	vst.idx.add.s32.msk vm1, v9;
	v8 =	vadd.s32 $0x2000, v15;
	v9 =	vadd.s32 $0x4000, v15  }
0xb1: {  	v16 =	vand.u32 $0x7F, v18;
	v15 =	vor.u32 v2, v19;
	[tilespmem:v11+s12+$0x0] =	vst.idx.add.s32.msk $0xffff, v17;
	v11 =	vadd.s32 v12, v7  }
0xb2: {  	vm3 =	vlt.s32 v14, $0x0;
	[tilespmem:v5+s12+$0x0] =	vst.idx.add.s32.msk vm2, v1;
	v5 =	vor.u32 v12, v7;
	v7 =	vadd.s32 v16, v15  }
0xb3: {  	v6 =	vand.u32 $0xFFFF, v6;
	v12 =	vshrl.u32 v4, $0x10;
	[tilespmem:v10+s12+$0x0] =	vst.idx.add.s32.msk vm2, v17;
	v10 =	vadd.s32 $0x2000, v11  }
0xb4: {  	v18 =	vadd.s32 $0x4000, v11;
	v17 =	vand.u32 $0x1F80, v12;
	v11 =	vand.u32 $0x7F, v12;
	[tilespmem:v20+s12+$0x0] =	vst.idx.add.s32.msk $0xffff, v6  }
0xb5: {  	vm1 =	vlt.s32 v13, $0x0;
	v15 =	vor.u32 v16, v15;
	v12 =	vor.u32 v2, v17;
	[tilespmem:v8+s12+$0x0] =	vst.idx.add.s32.msk vm0, v1  }
.Ltmp2:
0xb6: {  	v8 =	vand.u32 $0xFFFF, v14;
	[tilespmem:v9+s12+$0x0] =	vst.idx.add.s32.msk vm0, v6;
	v6 =	vadd.s32 $0x2000, v7;
	v9 =	vadd.s32 v11, v12;
	(pc) =	sbr.rel @p0 .LBB2_7-.Ltmp2, $4  }
0xb7: {  	v14 =	vshrl.u32 v3, $0x10;
	vm0 =	vlt.s32 v3, $0x0;
	[tilespmem:v5+s12+$0x0] =	vst.idx.add.s32.msk $0xffff, v8;
	v5 =	vadd.s32 $0x4000, v7  }
0xb8: {  	vm2 =	vlt.s32 v4, $0x0;
	v16 =	vand.u32 $0x1F80, v14;
	v7 =	vor.u32 v11, v12;
	[tilespmem:v10+s12+$0x0] =	vst.idx.add.s32.msk vm3, v1  }
0xb9: {  	v11 =	vor.u32 v2, v16;
	v10 =	vand.u32 $0xFFFF, v13;
	[tilespmem:v18+s12+$0x0] =	vst.idx.add.s32.msk vm3, v8;
	v8 =	vadd.s32 $0x2000, v9  }
0xba: {  	v12 =	vand.u32 $0x7F, v14;
	v9 =	vadd.s32 $0x4000, v9;
	[tilespmem:v15+s12+$0x0] =	vst.idx.add.s32.msk $0xffff, v10  }
0xbb: {  	_ =	sdelay $0x4  }
0xbc: {  	[tilespmem:v6+s12+$0x0] =	vst.idx.add.s32.msk vm1, v1;
	v2 =	vor.u32 v12, v11;
	v62 =	vadd.s32 v12, v11  }
0xbd: {  	v4 =	vand.u32 $0xFFFF, v4;
	s18 =	sadd.s32 $0x1, s18;
	[tilespmem:v5+s12+$0x0] =	vst.idx.add.s32.msk vm1, v10;
	v63 =	vadd.s32 $0x2000, v62  }
0xbe: {  	v6 =	vadd.s32 $0x4000, v62;
	p0 =	sne.s32 s18, $0x39;
	[tilespmem:v7+s12+$0x0] =	vst.idx.add.s32.msk $0xffff, v4  }
.Ltmp3:
0xbf: {  	[tilespmem:v8+s12+$0x0] =	vst.idx.add.s32.msk vm2, v1;
	(pc) =	sbr.rel @p0 .LBB2_4-.Ltmp3, $4  }
0xc0: {  	v3 =	vand.u32 $0xFFFF, v3;
	[tilespmem:v9+s12+$0x0] =	vst.idx.add.s32.msk vm2, v4  }
0xc1: {  	[tilespmem:v2+s12+$0x0] =	vst.idx.add.s32.msk $0xffff, v3  }
0xc2: {  	[tilespmem:v63+s12+$0x0] =	vst.idx.add.s32.msk vm0, v1  }
0xc3: {  	[tilespmem:v6+s12+$0x0] =	vst.idx.add.s32.msk vm0, v3  }
0xc4: {  	s2 =	sadd.s32 $0x1, s2  }
0xc5: {  	p0 =	sne.s32 s2, s9  }
.Ltmp4:
0xc6: {  	_ = 	snop;
	(pc) =	sbr.rel @p0 .LBB2_1-.Ltmp4, $4  }
0xc7: {  	[hbm4b:s8+s14] =	stream.strided.scatter [tilespmem:s12], [sflag:$0x3], $0x18000, s15, s14, $0x38;
	[tilespmem:$0x19800] =	vst v63  }
0xc8: {  	_ =	swait.ge [sflag:s16], $0x18000  }
0xc9: {  	[sflag:s16] =	ssyncset.done $0x0  }
0xca: {  	[sflag:s16] =	ssyncadd.s32 $0xFFFE8000  }
0xcb: {  	_ =	sfence.sel $0x180000  }
0xcc: {  	[bflag:$0x0] =	sbarrier.arrive $0xFFFF  }
0xcd: {  	p0 =	sne.s32 s0, $0x0;
	_ =	strace $0x90000047  }
0xce: {  	s0 =	sadd.s32 @!p0 $0x100000, s1;
	[bflag:$0x2] =	sbarrier.arrive $0xFFFF  }
0xcf: {  	[sflag:s0] =	ssyncadd.tile.s32 @!p0 $0x1;
	_ =	shalt  }
.Lfunc_end2:
_tile_overlayer_lowered:
.L_overlay_start_2:
0xd0: {  	(tag) =	ssettag $0x2  }
0xd1: {  	s0 =	rddreg [dreg:$0x0];
	s2 =	stileid.u32  }
0xd2: {  	s1 =	rddreg [dreg:$0x1];
	p0 =	sne.s32 s2, $0x0  }
0xd3: {  	s3 =	rddreg [dreg:$0x2];
	[bflag:$0x3] =	sbarrier.arrive $0xFFFF;
	s2 =	simm.s32 @!p0 $0x1C03  }
0xd4: {  	[timem:s3], [sflag:s2] =	dma.local @!p0 [hbm:s0], s1  }
0xd5: {  	s0 =	simm.s32 @!p0 $0x3  }
0xd6: {  	_ =	swait.ge @!p0 [sflag:s0], s1  }
0xd7: {  	s1 =	ssub.s32 @!p0 $0x0, s1;
	[sflag:s0] =	ssyncset.done @!p0 $0x0  }
0xd8: {  	[sflag:s0] =	ssyncadd.s32 @!p0 s1  }
0xd9: {  	[bflag:$0x3] =	sbarrier.arrive $0xFFFF  }
0xda: {  	_ =	shalt  }

</sc_bundles>
